<compile_context>
chip_gen: v7x
topology: tpu7x:2x2x1
jax: 0.10.2.dev20260603
libtpu: 0.0.44.dev20260713+nightly
codegen_flags: <defaults>
</compile_context>

<pallas_src>
import functools

import jax
import jax.numpy as jnp
from jax import lax
from jax.experimental import pallas as pl
from jax.experimental.pallas import tpu as pltpu
from jax.experimental.pallas import tpu_sc as plsc

N = 524288
G = 202
TABW = G * G * 2
NC, NS, L = 2, 16, 16
NW = NC * NS
PER_W = N // NW
CHUNK = 2048
NCH = PER_W // CHUNK
VPC = CHUNK // L


def _weights(t):
    t2 = t * t
    w0 = ((-0.5 * t + 1.0) * t - 0.5) * t - 0.5
    w1 = t2 * (1.5 * t - 2.5)
    w2 = ((-1.5 * t + 2.0) * t - 0.5) * t + 0.5
    w3 = t2 * (0.5 * t - 0.5)
    return (w0, w1, w2, w3)


def _xy_flat(a):
    return a.reshape(N // 128, 128, 2).transpose(0, 2, 1).reshape(-1)


def kernel(ch1, ch2, CP_locs, CP_idx):
    tab = CP_locs.reshape(-1)
    ch1f = _xy_flat(ch1)
    ch2f = _xy_flat(ch2)
    idxf = _xy_flat(CP_idx)

    mesh = plsc.VectorSubcoreMesh(core_axis_name="c", subcore_axis_name="s")

    @functools.partial(
        pl.kernel,
        mesh=mesh,
        out_type=jax.ShapeDtypeStruct((NW * L,), jnp.float32),
        compiler_params=pltpu.CompilerParams(needs_layout_passes=False),
        scratch_types=[
            pltpu.VMEM((TABW,), jnp.float32),
            pltpu.VMEM((CHUNK * 2,), jnp.int32),
            pltpu.VMEM((CHUNK * 2,), jnp.float32),
            pltpu.VMEM((CHUNK * 2,), jnp.float32),
            pltpu.VMEM((L,), jnp.float32),
        ],
    )
    def k(ch1_hbm, ch2_hbm, tab_hbm, idx_hbm, out_hbm,
          tab_v, idx_v, c1_v, c2_v, acc_v):
        wid = lax.axis_index("s") * NC + lax.axis_index("c")
        pltpu.sync_copy(tab_hbm, tab_v)

        def chunk_body(ci, acc):
            base = (wid * PER_W + ci * CHUNK) * 2
            pltpu.sync_copy(idx_hbm.at[pl.ds(base, CHUNK * 2)], idx_v)
            pltpu.sync_copy(ch1_hbm.at[pl.ds(base, CHUNK * 2)], c1_v)
            pltpu.sync_copy(ch2_hbm.at[pl.ds(base, CHUNK * 2)], c2_v)

            def vreg_body(v, acc):
                xo = (v >> 3) * 256 + (v & 7) * 16
                yo = xo + 128
                i0 = idx_v[pl.ds(xo, L)]
                i1 = idx_v[pl.ds(yo, L)]
                fb = i0 * (2 * G) + i1 * 2 - (2 * G + 2)
                q11x = plsc.load_gather(tab_v, [fb + (2 * G + 2)])
                q11y = plsc.load_gather(tab_v, [fb + (2 * G + 3)])
                x = c2_v[pl.ds(xo, L)] - q11x
                y = c2_v[pl.ds(yo, L)] - q11y
                wx = _weights(x)
                wy = _weights(y)
                outx = None
                outy = None
                for i in range(4):
                    tx = None
                    ty = None
                    for j in range(4):
                        if i == 1 and j == 1:
                            qx, qy = q11x, q11y
                        else:
                            off = i * (2 * G) + j * 2
                            qx = plsc.load_gather(tab_v, [fb + off])
                            qy = plsc.load_gather(tab_v, [fb + (off + 1)])
                        tx = wy[j] * qx if tx is None else tx + wy[j] * qx
                        ty = wy[j] * qy if ty is None else ty + wy[j] * qy
                    outx = wx[i] * tx if outx is None else outx + wx[i] * tx
                    outy = wx[i] * ty if outy is None else outy + wx[i] * ty
                dx = c1_v[pl.ds(xo, L)] - outx
                dy = c1_v[pl.ds(yo, L)] - outy
                return acc + (dx * dx + dy * dy)

            return lax.fori_loop(0, VPC, vreg_body, acc)

        acc = lax.fori_loop(0, NCH, chunk_body, jnp.zeros((L,), jnp.float32))
        acc_v[...] = acc
        pltpu.sync_copy(acc_v, out_hbm.at[pl.ds(wid * L, L)])

    parts = k(ch1f, ch2f, tab, idxf)
    return jnp.sum(parts)

# --- scband reference (transcript-rebuilt; emitter-appended) ---
"""Pipeline reference for scband-catmull-rom-splines-27960237097678 (READ-ONLY COPY).

The authoritative reference and input builder live on the scoring server;
editing this copy changes nothing except your own understanding.
"""

import jax, jax.numpy as jnp
import numpy as np

N = 524288
G = 202


def setup_inputs(seed: int = 0) -> dict:
    key = jax.random.key(seed)
    k1, k2, k3, k4 = jax.random.split(key, 4)
    CP_locs = jax.random.normal(k1, (G, G, 2), dtype=jnp.float32)
    CP_idx = jax.random.randint(k2, (N, 2), 1, 200).astype(jnp.int32)
    ch1 = jax.random.normal(k3, (N, 2), dtype=jnp.float32)
    ch2 = jax.random.normal(k4, (N, 2), dtype=jnp.float32)
    return {"ch1": ch1, "ch2": ch2, "CP_locs": CP_locs, "CP_idx": CP_idx}


def reference(ch1, ch2, CP_locs, CP_idx):
    A = jnp.array([[-0.5, 1.5, -1.5, 0.5],
                   [1.0, -2.5, 2.0, -0.5],
                   [-0.5, 0.0, -0.5, 0.0],
                   [-0.5, 0.0, 0.5, 0.0],
                   [0.0, 1.0, 0.0, 0.0]], dtype=jnp.float32)
    i0 = CP_idx[:, 0]
    i1 = CP_idx[:, 1]
    # 16 gathers of the Catmull-Rom neighborhood (tf.gather_nd equivalent)
    q = [[CP_locs[i0 + (i - 1), i1 + (j - 1)] for j in range(4)] for i in range(4)]

    def sum_A(a, b):
        s = jnp.zeros_like(q[0][0])
        for i in range(4):
            for j in range(4):
                s = s + A[a, i] * A[b, j] * q[i][j]
        return s

    r = ch2 - q[1][1]  # q11 = gather at CP_idx + [0, 0]
    x = r[:, 0][:, None]
    y = r[:, 1][:, None]
    out = jnp.zeros_like(r)
    for a in range(4):
        for b in range(4):
            out = out + (x ** (3 - a)) * (y ** (3 - b)) * sum_A(a, b)
    return jnp.sum(jnp.square(ch1 - out))

if __name__ == "__main__":
    import jax
    _d = setup_inputs()
    print(jax.jit(kernel)(*tuple(_d.values())))

</pallas_src>

<mosaic_0001>
#map = affine_map<(d0, d1) -> (0)>
module attributes {stable_mosaic.version = 14 : i64} {
  func.func @k(%arg0: i32, %arg1: i32, %arg2: memref<1048576xf32, #tpu.memory_space<hbm>>, %arg3: memref<1048576xf32, #tpu.memory_space<hbm>>, %arg4: memref<81608xf32, #tpu.memory_space<hbm>>, %arg5: memref<1048576xi32, #tpu.memory_space<hbm>>, %arg6: memref<512xf32, #tpu.memory_space<hbm>>, %arg7: memref<81608xf32, #tpu.memory_space<vmem>>, %arg8: memref<4096xi32, #tpu.memory_space<vmem>>, %arg9: memref<4096xf32, #tpu.memory_space<vmem>>, %arg10: memref<4096xf32, #tpu.memory_space<vmem>>, %arg11: memref<16xf32, #tpu.memory_space<vmem>>) attributes {dimension_semantics = [#tpu.dimension_semantics<core_parallel>, #tpu.dimension_semantics<subcore_parallel>], iteration_bounds = array<i64: 2, 16>, scalar_prefetch = 0 : i64, scratch_operands = 5 : i64, tpu.core_type = #tpu.core_type<sc_vector_subcore>, window_params = [{transform_indices = #map}, {transform_indices = #map}, {transform_indices = #map}, {transform_indices = #map}, {transform_indices = #map}]} {
    %mul3A = arith.constant 2 : i32
    %mul3A_0 = arith.muli %arg1, %mul3A : i32
    %add3A = arith.addi %mul3A_0, %arg0 : i32
    "tpu.region"() ({
      %run_scoped3A = tpu.sem_alloc : memref<!tpu.dma_semaphore, #tpu.memory_space<semaphore_mem>>
      tpu.enqueue_dma source(%arg4 : memref<81608xf32, #tpu.memory_space<hbm>>) target(%arg7 : memref<81608xf32, #tpu.memory_space<vmem>>) target_semaphore(%run_scoped3A : memref<!tpu.dma_semaphore, #tpu.memory_space<semaphore_mem>>)
      tpu.wait_dma2 semaphore(%run_scoped3A : memref<!tpu.dma_semaphore, #tpu.memory_space<semaphore_mem>>) src(%arg4 : memref<81608xf32, #tpu.memory_space<hbm>>) dst(%arg7 : memref<81608xf32, #tpu.memory_space<vmem>>)
      tpu.yield
    }) : () -> ()
    %broadcast_in_dim3A = arith.constant 0.000000e+00 : f32
    %broadcast_in_dim3A_1 = vector.broadcast %broadcast_in_dim3A : f32 to vector<16xf32>
    %scan3A = arith.constant 0 : i32
    %scan3A_2 = arith.constant 8 : i32
    %scan3A_3 = arith.addi %scan3A, %scan3A_2 : i32
    %scan3A_4 = arith.constant 1 : i32
    %scan3A_5 = scf.for %scan3A_10 = %scan3A to %scan3A_3 step %scan3A_4 iter_args(%scan3A_11 = %broadcast_in_dim3A_1) -> (vector<16xf32>)  : i32 {
      %mul3A_12 = arith.constant 16384 : i32
      %mul3A_13 = arith.muli %add3A, %mul3A_12 : i32
      %mul3A_14 = arith.constant 2048 : i32
      %mul3A_15 = arith.muli %scan3A_10, %mul3A_14 : i32
      %add3A_16 = arith.addi %mul3A_13, %mul3A_15 : i32
      %mul3A_17 = arith.constant 2 : i32
      %mul3A_18 = arith.muli %add3A_16, %mul3A_17 : i32
      "tpu.region"() ({
        %run_scoped3A = tpu.sem_alloc : memref<!tpu.dma_semaphore, #tpu.memory_space<semaphore_mem>>
        %dma_start3A = tpu.memref_slice %arg5[%mul3A_18] : memref<1048576xi32, #tpu.memory_space<hbm>> -> memref<4096xi32, #tpu.memory_space<hbm>>
        %dma_start3A_25 = tpu.memref_slice %arg5[%mul3A_18] : memref<1048576xi32, #tpu.memory_space<hbm>> -> memref<4096xi32, #tpu.memory_space<hbm>>
        tpu.enqueue_dma source(%dma_start3A_25 : memref<4096xi32, #tpu.memory_space<hbm>>) target(%arg8 : memref<4096xi32, #tpu.memory_space<vmem>>) target_semaphore(%run_scoped3A : memref<!tpu.dma_semaphore, #tpu.memory_space<semaphore_mem>>)
        %dma_wait3A = tpu.memref_slice %arg5[%mul3A_18] : memref<1048576xi32, #tpu.memory_space<hbm>> -> memref<4096xi32, #tpu.memory_space<hbm>>
        %dma_wait3A_26 = tpu.memref_slice %arg5[%mul3A_18] : memref<1048576xi32, #tpu.memory_space<hbm>> -> memref<4096xi32, #tpu.memory_space<hbm>>
        tpu.wait_dma2 semaphore(%run_scoped3A : memref<!tpu.dma_semaphore, #tpu.memory_space<semaphore_mem>>) src(%dma_wait3A_26 : memref<4096xi32, #tpu.memory_space<hbm>>) dst(%arg8 : memref<4096xi32, #tpu.memory_space<vmem>>)
        tpu.yield
      }) : () -> ()
      "tpu.region"() ({
        %run_scoped3A = tpu.sem_alloc : memref<!tpu.dma_semaphore, #tpu.memory_space<semaphore_mem>>
        %dma_start3A = tpu.memref_slice %arg2[%mul3A_18] : memref<1048576xf32, #tpu.memory_space<hbm>> -> memref<4096xf32, #tpu.memory_space<hbm>>
        %dma_start3A_25 = tpu.memref_slice %arg2[%mul3A_18] : memref<1048576xf32, #tpu.memory_space<hbm>> -> memref<4096xf32, #tpu.memory_space<hbm>>
        tpu.enqueue_dma source(%dma_start3A_25 : memref<4096xf32, #tpu.memory_space<hbm>>) target(%arg9 : memref<4096xf32, #tpu.memory_space<vmem>>) target_semaphore(%run_scoped3A : memref<!tpu.dma_semaphore, #tpu.memory_space<semaphore_mem>>)
        %dma_wait3A = tpu.memref_slice %arg2[%mul3A_18] : memref<1048576xf32, #tpu.memory_space<hbm>> -> memref<4096xf32, #tpu.memory_space<hbm>>
        %dma_wait3A_26 = tpu.memref_slice %arg2[%mul3A_18] : memref<1048576xf32, #tpu.memory_space<hbm>> -> memref<4096xf32, #tpu.memory_space<hbm>>
        tpu.wait_dma2 semaphore(%run_scoped3A : memref<!tpu.dma_semaphore, #tpu.memory_space<semaphore_mem>>) src(%dma_wait3A_26 : memref<4096xf32, #tpu.memory_space<hbm>>) dst(%arg9 : memref<4096xf32, #tpu.memory_space<vmem>>)
        tpu.yield
      }) : () -> ()
      "tpu.region"() ({
        %run_scoped3A = tpu.sem_alloc : memref<!tpu.dma_semaphore, #tpu.memory_space<semaphore_mem>>
        %dma_start3A = tpu.memref_slice %arg3[%mul3A_18] : memref<1048576xf32, #tpu.memory_space<hbm>> -> memref<4096xf32, #tpu.memory_space<hbm>>
        %dma_start3A_25 = tpu.memref_slice %arg3[%mul3A_18] : memref<1048576xf32, #tpu.memory_space<hbm>> -> memref<4096xf32, #tpu.memory_space<hbm>>
        tpu.enqueue_dma source(%dma_start3A_25 : memref<4096xf32, #tpu.memory_space<hbm>>) target(%arg10 : memref<4096xf32, #tpu.memory_space<vmem>>) target_semaphore(%run_scoped3A : memref<!tpu.dma_semaphore, #tpu.memory_space<semaphore_mem>>)
        %dma_wait3A = tpu.memref_slice %arg3[%mul3A_18] : memref<1048576xf32, #tpu.memory_space<hbm>> -> memref<4096xf32, #tpu.memory_space<hbm>>
        %dma_wait3A_26 = tpu.memref_slice %arg3[%mul3A_18] : memref<1048576xf32, #tpu.memory_space<hbm>> -> memref<4096xf32, #tpu.memory_space<hbm>>
        tpu.wait_dma2 semaphore(%run_scoped3A : memref<!tpu.dma_semaphore, #tpu.memory_space<semaphore_mem>>) src(%dma_wait3A_26 : memref<4096xf32, #tpu.memory_space<hbm>>) dst(%arg10 : memref<4096xf32, #tpu.memory_space<vmem>>)
        tpu.yield
      }) : () -> ()
      %scan3A_19 = arith.constant 0 : i32
      %scan3A_20 = arith.constant 128 : i32
      %scan3A_21 = arith.addi %scan3A_19, %scan3A_20 : i32
      %scan3A_22 = arith.constant 1 : i32
      %scan3A_23 = scf.for %scan3A_25 = %scan3A_19 to %scan3A_21 step %scan3A_22 iter_args(%scan3A_26 = %scan3A_11) -> (vector<16xf32>)  : i32 {
        %shift_right_arithmetic3A = arith.constant 3 : i32
        %shift_right_arithmetic3A_27 = arith.shrsi %scan3A_25, %shift_right_arithmetic3A : i32
        %mul3A_28 = arith.constant 256 : i32
        %mul3A_29 = arith.muli %shift_right_arithmetic3A_27, %mul3A_28 : i32
        %and3A = arith.constant 7 : i32
        %and3A_30 = arith.andi %scan3A_25, %and3A : i32
        %mul3A_31 = arith.constant 16 : i32
        %mul3A_32 = arith.muli %and3A_30, %mul3A_31 : i32
        %add3A_33 = arith.addi %mul3A_29, %mul3A_32 : i32
        %add3A_34 = arith.constant 128 : i32
        %add3A_35 = arith.addi %add3A_33, %add3A_34 : i32
        %get3A = arith.index_cast %add3A_33 : i32 to index
        %get3A_36 = tpu.vector_load %arg8[%get3A] {strides = array<i32>} : memref<4096xi32, #tpu.memory_space<vmem>>, vector<16xi32>,
        %get3A_37 = arith.index_cast %add3A_35 : i32 to index
        %get3A_38 = tpu.vector_load %arg8[%get3A_37] {strides = array<i32>} : memref<4096xi32, #tpu.memory_space<vmem>>, vector<16xi32>,
        %mul3A_39 = arith.constant 404 : i32
        %mul3A_40 = vector.broadcast %mul3A_39 : i32 to vector<16xi32>
        %mul3A_41 = arith.muli %get3A_36, %mul3A_40 : vector<16xi32>
        %mul3A_42 = arith.constant 2 : i32
        %mul3A_43 = vector.broadcast %mul3A_42 : i32 to vector<16xi32>
        %mul3A_44 = arith.muli %get3A_38, %mul3A_43 : vector<16xi32>
        %add3A_45 = arith.addi %mul3A_41, %mul3A_44 : vector<16xi32>
        %sub3A = arith.constant 406 : i32
        %sub3A_46 = vector.broadcast %sub3A : i32 to vector<16xi32>
        %sub3A_47 = arith.subi %add3A_45, %sub3A_46 : vector<16xi32>
        %add3A_48 = arith.constant 406 : i32
        %add3A_49 = vector.broadcast %add3A_48 : i32 to vector<16xi32>
        %add3A_50 = arith.addi %sub3A_47, %add3A_49 : vector<16xi32>
        %gather3A = tpu.vector_load_idx %arg7[%add3A_50] : memref<81608xf32, #tpu.memory_space<vmem>>[vector<16xi32>], vector<16xf32>,
        %add3A_51 = arith.constant 407 : i32
        %add3A_52 = vector.broadcast %add3A_51 : i32 to vector<16xi32>
        %add3A_53 = arith.addi %sub3A_47, %add3A_52 : vector<16xi32>
        %gather3A_54 = tpu.vector_load_idx %arg7[%add3A_53] : memref<81608xf32, #tpu.memory_space<vmem>>[vector<16xi32>], vector<16xf32>,
        %get3A_55 = arith.index_cast %add3A_33 : i32 to index
        %get3A_56 = tpu.vector_load %arg10[%get3A_55] {strides = array<i32>} : memref<4096xf32, #tpu.memory_space<vmem>>, vector<16xf32>,
        %sub3A_57 = arith.subf %get3A_56, %gather3A : vector<16xf32>
        %get3A_58 = arith.index_cast %add3A_35 : i32 to index
        %get3A_59 = tpu.vector_load %arg10[%get3A_58] {strides = array<i32>} : memref<4096xf32, #tpu.memory_space<vmem>>, vector<16xf32>,
        %sub3A_60 = arith.subf %get3A_59, %gather3A_54 : vector<16xf32>
        %mul3A_61 = arith.mulf %sub3A_57, %sub3A_57 : vector<16xf32>
        %mul3A_62 = arith.constant -5.000000e-01 : f32
        %mul3A_63 = vector.broadcast %mul3A_62 : f32 to vector<16xf32>
        %mul3A_64 = arith.mulf %mul3A_63, %sub3A_57 : vector<16xf32>
        %add3A_65 = arith.constant 1.000000e+00 : f32
        %add3A_66 = vector.broadcast %add3A_65 : f32 to vector<16xf32>
        %add3A_67 = arith.addf %mul3A_64, %add3A_66 : vector<16xf32>
        %mul3A_68 = arith.mulf %add3A_67, %sub3A_57 : vector<16xf32>
        %sub3A_69 = arith.constant 5.000000e-01 : f32
        %sub3A_70 = vector.broadcast %sub3A_69 : f32 to vector<16xf32>
        %sub3A_71 = arith.subf %mul3A_68, %sub3A_70 : vector<16xf32>
        %mul3A_72 = arith.mulf %sub3A_71, %sub3A_57 : vector<16xf32>
        %sub3A_73 = arith.constant 5.000000e-01 : f32
        %sub3A_74 = vector.broadcast %sub3A_73 : f32 to vector<16xf32>
        %sub3A_75 = arith.subf %mul3A_72, %sub3A_74 : vector<16xf32>
        %mul3A_76 = arith.constant 1.500000e+00 : f32
        %mul3A_77 = vector.broadcast %mul3A_76 : f32 to vector<16xf32>
        %mul3A_78 = arith.mulf %mul3A_77, %sub3A_57 : vector<16xf32>
        %sub3A_79 = arith.constant 2.500000e+00 : f32
        %sub3A_80 = vector.broadcast %sub3A_79 : f32 to vector<16xf32>
        %sub3A_81 = arith.subf %mul3A_78, %sub3A_80 : vector<16xf32>
        %mul3A_82 = arith.mulf %mul3A_61, %sub3A_81 : vector<16xf32>
        %mul3A_83 = arith.constant -1.500000e+00 : f32
        %mul3A_84 = vector.broadcast %mul3A_83 : f32 to vector<16xf32>
        %mul3A_85 = arith.mulf %mul3A_84, %sub3A_57 : vector<16xf32>
        %add3A_86 = arith.constant 2.000000e+00 : f32
        %add3A_87 = vector.broadcast %add3A_86 : f32 to vector<16xf32>
        %add3A_88 = arith.addf %mul3A_85, %add3A_87 : vector<16xf32>
        %mul3A_89 = arith.mulf %add3A_88, %sub3A_57 : vector<16xf32>
        %sub3A_90 = arith.constant 5.000000e-01 : f32
        %sub3A_91 = vector.broadcast %sub3A_90 : f32 to vector<16xf32>
        %sub3A_92 = arith.subf %mul3A_89, %sub3A_91 : vector<16xf32>
        %mul3A_93 = arith.mulf %sub3A_92, %sub3A_57 : vector<16xf32>
        %add3A_94 = arith.constant 5.000000e-01 : f32
        %add3A_95 = vector.broadcast %add3A_94 : f32 to vector<16xf32>
        %add3A_96 = arith.addf %mul3A_93, %add3A_95 : vector<16xf32>
        %mul3A_97 = arith.constant 5.000000e-01 : f32
        %mul3A_98 = vector.broadcast %mul3A_97 : f32 to vector<16xf32>
        %mul3A_99 = arith.mulf %mul3A_98, %sub3A_57 : vector<16xf32>
        %sub3A_100 = arith.constant 5.000000e-01 : f32
        %sub3A_101 = vector.broadcast %sub3A_100 : f32 to vector<16xf32>
        %sub3A_102 = arith.subf %mul3A_99, %sub3A_101 : vector<16xf32>
        %mul3A_103 = arith.mulf %mul3A_61, %sub3A_102 : vector<16xf32>
        %mul3A_104 = arith.mulf %sub3A_60, %sub3A_60 : vector<16xf32>
        %mul3A_105 = arith.constant -5.000000e-01 : f32
        %mul3A_106 = vector.broadcast %mul3A_105 : f32 to vector<16xf32>
        %mul3A_107 = arith.mulf %mul3A_106, %sub3A_60 : vector<16xf32>
        %add3A_108 = arith.constant 1.000000e+00 : f32
        %add3A_109 = vector.broadcast %add3A_108 : f32 to vector<16xf32>
        %add3A_110 = arith.addf %mul3A_107, %add3A_109 : vector<16xf32>
        %mul3A_111 = arith.mulf %add3A_110, %sub3A_60 : vector<16xf32>
        %sub3A_112 = arith.constant 5.000000e-01 : f32
        %sub3A_113 = vector.broadcast %sub3A_112 : f32 to vector<16xf32>
        %sub3A_114 = arith.subf %mul3A_111, %sub3A_113 : vector<16xf32>
        %mul3A_115 = arith.mulf %sub3A_114, %sub3A_60 : vector<16xf32>
        %sub3A_116 = arith.constant 5.000000e-01 : f32
        %sub3A_117 = vector.broadcast %sub3A_116 : f32 to vector<16xf32>
        %sub3A_118 = arith.subf %mul3A_115, %sub3A_117 : vector<16xf32>
        %mul3A_119 = arith.constant 1.500000e+00 : f32
        %mul3A_120 = vector.broadcast %mul3A_119 : f32 to vector<16xf32>
        %mul3A_121 = arith.mulf %mul3A_120, %sub3A_60 : vector<16xf32>
        %sub3A_122 = arith.constant 2.500000e+00 : f32
        %sub3A_123 = vector.broadcast %sub3A_122 : f32 to vector<16xf32>
        %sub3A_124 = arith.subf %mul3A_121, %sub3A_123 : vector<16xf32>
        %mul3A_125 = arith.mulf %mul3A_104, %sub3A_124 : vector<16xf32>
        %mul3A_126 = arith.constant -1.500000e+00 : f32
        %mul3A_127 = vector.broadcast %mul3A_126 : f32 to vector<16xf32>
        %mul3A_128 = arith.mulf %mul3A_127, %sub3A_60 : vector<16xf32>
        %add3A_129 = arith.constant 2.000000e+00 : f32
        %add3A_130 = vector.broadcast %add3A_129 : f32 to vector<16xf32>
        %add3A_131 = arith.addf %mul3A_128, %add3A_130 : vector<16xf32>
        %mul3A_132 = arith.mulf %add3A_131, %sub3A_60 : vector<16xf32>
        %sub3A_133 = arith.constant 5.000000e-01 : f32
        %sub3A_134 = vector.broadcast %sub3A_133 : f32 to vector<16xf32>
        %sub3A_135 = arith.subf %mul3A_132, %sub3A_134 : vector<16xf32>
        %mul3A_136 = arith.mulf %sub3A_135, %sub3A_60 : vector<16xf32>
        %add3A_137 = arith.constant 5.000000e-01 : f32
        %add3A_138 = vector.broadcast %add3A_137 : f32 to vector<16xf32>
        %add3A_139 = arith.addf %mul3A_136, %add3A_138 : vector<16xf32>
        %mul3A_140 = arith.constant 5.000000e-01 : f32
        %mul3A_141 = vector.broadcast %mul3A_140 : f32 to vector<16xf32>
        %mul3A_142 = arith.mulf %mul3A_141, %sub3A_60 : vector<16xf32>
        %sub3A_143 = arith.constant 5.000000e-01 : f32
        %sub3A_144 = vector.broadcast %sub3A_143 : f32 to vector<16xf32>
        %sub3A_145 = arith.subf %mul3A_142, %sub3A_144 : vector<16xf32>
        %mul3A_146 = arith.mulf %mul3A_104, %sub3A_145 : vector<16xf32>
        %add3A_147 = arith.constant 0 : i32
        %add3A_148 = vector.broadcast %add3A_147 : i32 to vector<16xi32>
        %add3A_149 = arith.addi %sub3A_47, %add3A_148 : vector<16xi32>
        %gather3A_150 = tpu.vector_load_idx %arg7[%add3A_149] : memref<81608xf32, #tpu.memory_space<vmem>>[vector<16xi32>], vector<16xf32>,
        %add3A_151 = arith.constant 1 : i32
        %add3A_152 = vector.broadcast %add3A_151 : i32 to vector<16xi32>
        %add3A_153 = arith.addi %sub3A_47, %add3A_152 : vector<16xi32>
        %gather3A_154 = tpu.vector_load_idx %arg7[%add3A_153] : memref<81608xf32, #tpu.memory_space<vmem>>[vector<16xi32>], vector<16xf32>,
        %mul3A_155 = arith.mulf %sub3A_118, %gather3A_150 : vector<16xf32>
        %mul3A_156 = arith.mulf %sub3A_118, %gather3A_154 : vector<16xf32>
        %add3A_157 = arith.constant 2 : i32
        %add3A_158 = vector.broadcast %add3A_157 : i32 to vector<16xi32>
        %add3A_159 = arith.addi %sub3A_47, %add3A_158 : vector<16xi32>
        %gather3A_160 = tpu.vector_load_idx %arg7[%add3A_159] : memref<81608xf32, #tpu.memory_space<vmem>>[vector<16xi32>], vector<16xf32>,
        %add3A_161 = arith.constant 3 : i32
        %add3A_162 = vector.broadcast %add3A_161 : i32 to vector<16xi32>
        %add3A_163 = arith.addi %sub3A_47, %add3A_162 : vector<16xi32>
        %gather3A_164 = tpu.vector_load_idx %arg7[%add3A_163] : memref<81608xf32, #tpu.memory_space<vmem>>[vector<16xi32>], vector<16xf32>,
        %mul3A_165 = arith.mulf %mul3A_125, %gather3A_160 : vector<16xf32>
        %add3A_166 = arith.addf %mul3A_155, %mul3A_165 : vector<16xf32>
        %mul3A_167 = arith.mulf %mul3A_125, %gather3A_164 : vector<16xf32>
        %add3A_168 = arith.addf %mul3A_156, %mul3A_167 : vector<16xf32>
        %add3A_169 = arith.constant 4 : i32
        %add3A_170 = vector.broadcast %add3A_169 : i32 to vector<16xi32>
        %add3A_171 = arith.addi %sub3A_47, %add3A_170 : vector<16xi32>
        %gather3A_172 = tpu.vector_load_idx %arg7[%add3A_171] : memref<81608xf32, #tpu.memory_space<vmem>>[vector<16xi32>], vector<16xf32>,
        %add3A_173 = arith.constant 5 : i32
        %add3A_174 = vector.broadcast %add3A_173 : i32 to vector<16xi32>
        %add3A_175 = arith.addi %sub3A_47, %add3A_174 : vector<16xi32>
        %gather3A_176 = tpu.vector_load_idx %arg7[%add3A_175] : memref<81608xf32, #tpu.memory_space<vmem>>[vector<16xi32>], vector<16xf32>,
        %mul3A_177 = arith.mulf %add3A_139, %gather3A_172 : vector<16xf32>
        %add3A_178 = arith.addf %add3A_166, %mul3A_177 : vector<16xf32>
        %mul3A_179 = arith.mulf %add3A_139, %gather3A_176 : vector<16xf32>
        %add3A_180 = arith.addf %add3A_168, %mul3A_179 : vector<16xf32>
        %add3A_181 = arith.constant 6 : i32
        %add3A_182 = vector.broadcast %add3A_181 : i32 to vector<16xi32>
        %add3A_183 = arith.addi %sub3A_47, %add3A_182 : vector<16xi32>
        %gather3A_184 = tpu.vector_load_idx %arg7[%add3A_183] : memref<81608xf32, #tpu.memory_space<vmem>>[vector<16xi32>], vector<16xf32>,
        %add3A_185 = arith.constant 7 : i32
        %add3A_186 = vector.broadcast %add3A_185 : i32 to vector<16xi32>
        %add3A_187 = arith.addi %sub3A_47, %add3A_186 : vector<16xi32>
        %gather3A_188 = tpu.vector_load_idx %arg7[%add3A_187] : memref<81608xf32, #tpu.memory_space<vmem>>[vector<16xi32>], vector<16xf32>,
        %mul3A_189 = arith.mulf %mul3A_146, %gather3A_184 : vector<16xf32>
        %add3A_190 = arith.addf %add3A_178, %mul3A_189 : vector<16xf32>
        %mul3A_191 = arith.mulf %mul3A_146, %gather3A_188 : vector<16xf32>
        %add3A_192 = arith.addf %add3A_180, %mul3A_191 : vector<16xf32>
        %mul3A_193 = arith.mulf %sub3A_75, %add3A_190 : vector<16xf32>
        %mul3A_194 = arith.mulf %sub3A_75, %add3A_192 : vector<16xf32>
        %add3A_195 = arith.constant 404 : i32
        %add3A_196 = vector.broadcast %add3A_195 : i32 to vector<16xi32>
        %add3A_197 = arith.addi %sub3A_47, %add3A_196 : vector<16xi32>
        %gather3A_198 = tpu.vector_load_idx %arg7[%add3A_197] : memref<81608xf32, #tpu.memory_space<vmem>>[vector<16xi32>], vector<16xf32>,
        %add3A_199 = arith.constant 405 : i32
        %add3A_200 = vector.broadcast %add3A_199 : i32 to vector<16xi32>
        %add3A_201 = arith.addi %sub3A_47, %add3A_200 : vector<16xi32>
        %gather3A_202 = tpu.vector_load_idx %arg7[%add3A_201] : memref<81608xf32, #tpu.memory_space<vmem>>[vector<16xi32>], vector<16xf32>,
        %mul3A_203 = arith.mulf %sub3A_118, %gather3A_198 : vector<16xf32>
        %mul3A_204 = arith.mulf %sub3A_118, %gather3A_202 : vector<16xf32>
        %mul3A_205 = arith.mulf %mul3A_125, %gather3A : vector<16xf32>
        %add3A_206 = arith.addf %mul3A_203, %mul3A_205 : vector<16xf32>
        %mul3A_207 = arith.mulf %mul3A_125, %gather3A_54 : vector<16xf32>
        %add3A_208 = arith.addf %mul3A_204, %mul3A_207 : vector<16xf32>
        %add3A_209 = arith.constant 408 : i32
        %add3A_210 = vector.broadcast %add3A_209 : i32 to vector<16xi32>
        %add3A_211 = arith.addi %sub3A_47, %add3A_210 : vector<16xi32>
        %gather3A_212 = tpu.vector_load_idx %arg7[%add3A_211] : memref<81608xf32, #tpu.memory_space<vmem>>[vector<16xi32>], vector<16xf32>,
        %add3A_213 = arith.constant 409 : i32
        %add3A_214 = vector.broadcast %add3A_213 : i32 to vector<16xi32>
        %add3A_215 = arith.addi %sub3A_47, %add3A_214 : vector<16xi32>
        %gather3A_216 = tpu.vector_load_idx %arg7[%add3A_215] : memref<81608xf32, #tpu.memory_space<vmem>>[vector<16xi32>], vector<16xf32>,
        %mul3A_217 = arith.mulf %add3A_139, %gather3A_212 : vector<16xf32>
        %add3A_218 = arith.addf %add3A_206, %mul3A_217 : vector<16xf32>
        %mul3A_219 = arith.mulf %add3A_139, %gather3A_216 : vector<16xf32>
        %add3A_220 = arith.addf %add3A_208, %mul3A_219 : vector<16xf32>
        %add3A_221 = arith.constant 410 : i32
        %add3A_222 = vector.broadcast %add3A_221 : i32 to vector<16xi32>
        %add3A_223 = arith.addi %sub3A_47, %add3A_222 : vector<16xi32>
        %gather3A_224 = tpu.vector_load_idx %arg7[%add3A_223] : memref<81608xf32, #tpu.memory_space<vmem>>[vector<16xi32>], vector<16xf32>,
        %add3A_225 = arith.constant 411 : i32
        %add3A_226 = vector.broadcast %add3A_225 : i32 to vector<16xi32>
        %add3A_227 = arith.addi %sub3A_47, %add3A_226 : vector<16xi32>
        %gather3A_228 = tpu.vector_load_idx %arg7[%add3A_227] : memref<81608xf32, #tpu.memory_space<vmem>>[vector<16xi32>], vector<16xf32>,
        %mul3A_229 = arith.mulf %mul3A_146, %gather3A_224 : vector<16xf32>
        %add3A_230 = arith.addf %add3A_218, %mul3A_229 : vector<16xf32>
        %mul3A_231 = arith.mulf %mul3A_146, %gather3A_228 : vector<16xf32>
        %add3A_232 = arith.addf %add3A_220, %mul3A_231 : vector<16xf32>
        %mul3A_233 = arith.mulf %mul3A_82, %add3A_230 : vector<16xf32>
        %add3A_234 = arith.addf %mul3A_193, %mul3A_233 : vector<16xf32>
        %mul3A_235 = arith.mulf %mul3A_82, %add3A_232 : vector<16xf32>
        %add3A_236 = arith.addf %mul3A_194, %mul3A_235 : vector<16xf32>
        %add3A_237 = arith.constant 808 : i32
        %add3A_238 = vector.broadcast %add3A_237 : i32 to vector<16xi32>
        %add3A_239 = arith.addi %sub3A_47, %add3A_238 : vector<16xi32>
        %gather3A_240 = tpu.vector_load_idx %arg7[%add3A_239] : memref<81608xf32, #tpu.memory_space<vmem>>[vector<16xi32>], vector<16xf32>,
        %add3A_241 = arith.constant 809 : i32
        %add3A_242 = vector.broadcast %add3A_241 : i32 to vector<16xi32>
        %add3A_243 = arith.addi %sub3A_47, %add3A_242 : vector<16xi32>
        %gather3A_244 = tpu.vector_load_idx %arg7[%add3A_243] : memref<81608xf32, #tpu.memory_space<vmem>>[vector<16xi32>], vector<16xf32>,
        %mul3A_245 = arith.mulf %sub3A_118, %gather3A_240 : vector<16xf32>
        %mul3A_246 = arith.mulf %sub3A_118, %gather3A_244 : vector<16xf32>
        %add3A_247 = arith.constant 810 : i32
        %add3A_248 = vector.broadcast %add3A_247 : i32 to vector<16xi32>
        %add3A_249 = arith.addi %sub3A_47, %add3A_248 : vector<16xi32>
        %gather3A_250 = tpu.vector_load_idx %arg7[%add3A_249] : memref<81608xf32, #tpu.memory_space<vmem>>[vector<16xi32>], vector<16xf32>,
        %add3A_251 = arith.constant 811 : i32
        %add3A_252 = vector.broadcast %add3A_251 : i32 to vector<16xi32>
        %add3A_253 = arith.addi %sub3A_47, %add3A_252 : vector<16xi32>
        %gather3A_254 = tpu.vector_load_idx %arg7[%add3A_253] : memref<81608xf32, #tpu.memory_space<vmem>>[vector<16xi32>], vector<16xf32>,
        %mul3A_255 = arith.mulf %mul3A_125, %gather3A_250 : vector<16xf32>
        %add3A_256 = arith.addf %mul3A_245, %mul3A_255 : vector<16xf32>
        %mul3A_257 = arith.mulf %mul3A_125, %gather3A_254 : vector<16xf32>
        %add3A_258 = arith.addf %mul3A_246, %mul3A_257 : vector<16xf32>
        %add3A_259 = arith.constant 812 : i32
        %add3A_260 = vector.broadcast %add3A_259 : i32 to vector<16xi32>
        %add3A_261 = arith.addi %sub3A_47, %add3A_260 : vector<16xi32>
        %gather3A_262 = tpu.vector_load_idx %arg7[%add3A_261] : memref<81608xf32, #tpu.memory_space<vmem>>[vector<16xi32>], vector<16xf32>,
        %add3A_263 = arith.constant 813 : i32
        %add3A_264 = vector.broadcast %add3A_263 : i32 to vector<16xi32>
        %add3A_265 = arith.addi %sub3A_47, %add3A_264 : vector<16xi32>
        %gather3A_266 = tpu.vector_load_idx %arg7[%add3A_265] : memref<81608xf32, #tpu.memory_space<vmem>>[vector<16xi32>], vector<16xf32>,
        %mul3A_267 = arith.mulf %add3A_139, %gather3A_262 : vector<16xf32>
        %add3A_268 = arith.addf %add3A_256, %mul3A_267 : vector<16xf32>
        %mul3A_269 = arith.mulf %add3A_139, %gather3A_266 : vector<16xf32>
        %add3A_270 = arith.addf %add3A_258, %mul3A_269 : vector<16xf32>
        %add3A_271 = arith.constant 814 : i32
        %add3A_272 = vector.broadcast %add3A_271 : i32 to vector<16xi32>
        %add3A_273 = arith.addi %sub3A_47, %add3A_272 : vector<16xi32>
        %gather3A_274 = tpu.vector_load_idx %arg7[%add3A_273] : memref<81608xf32, #tpu.memory_space<vmem>>[vector<16xi32>], vector<16xf32>,
        %add3A_275 = arith.constant 815 : i32
        %add3A_276 = vector.broadcast %add3A_275 : i32 to vector<16xi32>
        %add3A_277 = arith.addi %sub3A_47, %add3A_276 : vector<16xi32>
        %gather3A_278 = tpu.vector_load_idx %arg7[%add3A_277] : memref<81608xf32, #tpu.memory_space<vmem>>[vector<16xi32>], vector<16xf32>,
        %mul3A_279 = arith.mulf %mul3A_146, %gather3A_274 : vector<16xf32>
        %add3A_280 = arith.addf %add3A_268, %mul3A_279 : vector<16xf32>
        %mul3A_281 = arith.mulf %mul3A_146, %gather3A_278 : vector<16xf32>
        %add3A_282 = arith.addf %add3A_270, %mul3A_281 : vector<16xf32>
        %mul3A_283 = arith.mulf %add3A_96, %add3A_280 : vector<16xf32>
        %add3A_284 = arith.addf %add3A_234, %mul3A_283 : vector<16xf32>
        %mul3A_285 = arith.mulf %add3A_96, %add3A_282 : vector<16xf32>
        %add3A_286 = arith.addf %add3A_236, %mul3A_285 : vector<16xf32>
        %add3A_287 = arith.constant 1212 : i32
        %add3A_288 = vector.broadcast %add3A_287 : i32 to vector<16xi32>
        %add3A_289 = arith.addi %sub3A_47, %add3A_288 : vector<16xi32>
        %gather3A_290 = tpu.vector_load_idx %arg7[%add3A_289] : memref<81608xf32, #tpu.memory_space<vmem>>[vector<16xi32>], vector<16xf32>,
        %add3A_291 = arith.constant 1213 : i32
        %add3A_292 = vector.broadcast %add3A_291 : i32 to vector<16xi32>
        %add3A_293 = arith.addi %sub3A_47, %add3A_292 : vector<16xi32>
        %gather3A_294 = tpu.vector_load_idx %arg7[%add3A_293] : memref<81608xf32, #tpu.memory_space<vmem>>[vector<16xi32>], vector<16xf32>,
        %mul3A_295 = arith.mulf %sub3A_118, %gather3A_290 : vector<16xf32>
        %mul3A_296 = arith.mulf %sub3A_118, %gather3A_294 : vector<16xf32>
        %add3A_297 = arith.constant 1214 : i32
        %add3A_298 = vector.broadcast %add3A_297 : i32 to vector<16xi32>
        %add3A_299 = arith.addi %sub3A_47, %add3A_298 : vector<16xi32>
        %gather3A_300 = tpu.vector_load_idx %arg7[%add3A_299] : memref<81608xf32, #tpu.memory_space<vmem>>[vector<16xi32>], vector<16xf32>,
        %add3A_301 = arith.constant 1215 : i32
        %add3A_302 = vector.broadcast %add3A_301 : i32 to vector<16xi32>
        %add3A_303 = arith.addi %sub3A_47, %add3A_302 : vector<16xi32>
        %gather3A_304 = tpu.vector_load_idx %arg7[%add3A_303] : memref<81608xf32, #tpu.memory_space<vmem>>[vector<16xi32>], vector<16xf32>,
        %mul3A_305 = arith.mulf %mul3A_125, %gather3A_300 : vector<16xf32>
        %add3A_306 = arith.addf %mul3A_295, %mul3A_305 : vector<16xf32>
        %mul3A_307 = arith.mulf %mul3A_125, %gather3A_304 : vector<16xf32>
        %add3A_308 = arith.addf %mul3A_296, %mul3A_307 : vector<16xf32>
        %add3A_309 = arith.constant 1216 : i32
        %add3A_310 = vector.broadcast %add3A_309 : i32 to vector<16xi32>
        %add3A_311 = arith.addi %sub3A_47, %add3A_310 : vector<16xi32>
        %gather3A_312 = tpu.vector_load_idx %arg7[%add3A_311] : memref<81608xf32, #tpu.memory_space<vmem>>[vector<16xi32>], vector<16xf32>,
        %add3A_313 = arith.constant 1217 : i32
        %add3A_314 = vector.broadcast %add3A_313 : i32 to vector<16xi32>
        %add3A_315 = arith.addi %sub3A_47, %add3A_314 : vector<16xi32>
        %gather3A_316 = tpu.vector_load_idx %arg7[%add3A_315] : memref<81608xf32, #tpu.memory_space<vmem>>[vector<16xi32>], vector<16xf32>,
        %mul3A_317 = arith.mulf %add3A_139, %gather3A_312 : vector<16xf32>
        %add3A_318 = arith.addf %add3A_306, %mul3A_317 : vector<16xf32>
        %mul3A_319 = arith.mulf %add3A_139, %gather3A_316 : vector<16xf32>
        %add3A_320 = arith.addf %add3A_308, %mul3A_319 : vector<16xf32>
        %add3A_321 = arith.constant 1218 : i32
        %add3A_322 = vector.broadcast %add3A_321 : i32 to vector<16xi32>
        %add3A_323 = arith.addi %sub3A_47, %add3A_322 : vector<16xi32>
        %gather3A_324 = tpu.vector_load_idx %arg7[%add3A_323] : memref<81608xf32, #tpu.memory_space<vmem>>[vector<16xi32>], vector<16xf32>,
        %add3A_325 = arith.constant 1219 : i32
        %add3A_326 = vector.broadcast %add3A_325 : i32 to vector<16xi32>
        %add3A_327 = arith.addi %sub3A_47, %add3A_326 : vector<16xi32>
        %gather3A_328 = tpu.vector_load_idx %arg7[%add3A_327] : memref<81608xf32, #tpu.memory_space<vmem>>[vector<16xi32>], vector<16xf32>,
        %mul3A_329 = arith.mulf %mul3A_146, %gather3A_324 : vector<16xf32>
        %add3A_330 = arith.addf %add3A_318, %mul3A_329 : vector<16xf32>
        %mul3A_331 = arith.mulf %mul3A_146, %gather3A_328 : vector<16xf32>
        %add3A_332 = arith.addf %add3A_320, %mul3A_331 : vector<16xf32>
        %mul3A_333 = arith.mulf %mul3A_103, %add3A_330 : vector<16xf32>
        %add3A_334 = arith.addf %add3A_284, %mul3A_333 : vector<16xf32>
        %mul3A_335 = arith.mulf %mul3A_103, %add3A_332 : vector<16xf32>
        %add3A_336 = arith.addf %add3A_286, %mul3A_335 : vector<16xf32>
        %get3A_337 = arith.index_cast %add3A_33 : i32 to index
        %get3A_338 = tpu.vector_load %arg9[%get3A_337] {strides = array<i32>} : memref<4096xf32, #tpu.memory_space<vmem>>, vector<16xf32>,
        %sub3A_339 = arith.subf %get3A_338, %add3A_334 : vector<16xf32>
        %get3A_340 = arith.index_cast %add3A_35 : i32 to index
        %get3A_341 = tpu.vector_load %arg9[%get3A_340] {strides = array<i32>} : memref<4096xf32, #tpu.memory_space<vmem>>, vector<16xf32>,
        %sub3A_342 = arith.subf %get3A_341, %add3A_336 : vector<16xf32>
        %mul3A_343 = arith.mulf %sub3A_339, %sub3A_339 : vector<16xf32>
        %mul3A_344 = arith.mulf %sub3A_342, %sub3A_342 : vector<16xf32>
        %add3A_345 = arith.addf %mul3A_343, %mul3A_344 : vector<16xf32>
        %add3A_346 = arith.addf %scan3A_26, %add3A_345 : vector<16xf32>
        scf.yield %add3A_346 : vector<16xf32>
      }
      %scan3A_24 = arith.constant 128 : i32
      scf.yield %scan3A_23 : vector<16xf32>
    }
    %scan3A_6 = arith.constant 8 : i32
    %swap3A = arith.constant 0 : index
    %swap3A_7 = tpu.vector_load %arg11[%swap3A] {strides = array<i32>} : memref<16xf32, #tpu.memory_space<vmem>>, vector<16xf32>,
    tpu.vector_store %arg11[%swap3A], %scan3A_5 {strides = array<i32>} : memref<16xf32, #tpu.memory_space<vmem>>, vector<16xf32>,
    %mul3A_8 = arith.constant 16 : i32
    %mul3A_9 = arith.muli %add3A, %mul3A_8 : i32
    "tpu.region"() ({
      %run_scoped3A = tpu.sem_alloc : memref<!tpu.dma_semaphore, #tpu.memory_space<semaphore_mem>>
      %dma_start3A = tpu.memref_slice %arg6[%mul3A_9] : memref<512xf32, #tpu.memory_space<hbm>> -> memref<16xf32, #tpu.memory_space<hbm>>
      %dma_start3A_10 = tpu.memref_slice %arg6[%mul3A_9] : memref<512xf32, #tpu.memory_space<hbm>> -> memref<16xf32, #tpu.memory_space<hbm>>
      tpu.enqueue_dma source(%arg11 : memref<16xf32, #tpu.memory_space<vmem>>) target(%dma_start3A_10 : memref<16xf32, #tpu.memory_space<hbm>>) target_semaphore(%run_scoped3A : memref<!tpu.dma_semaphore, #tpu.memory_space<semaphore_mem>>)
      %dma_wait3A = tpu.memref_slice %arg6[%mul3A_9] : memref<512xf32, #tpu.memory_space<hbm>> -> memref<16xf32, #tpu.memory_space<hbm>>
      %dma_wait3A_11 = tpu.memref_slice %arg6[%mul3A_9] : memref<512xf32, #tpu.memory_space<hbm>> -> memref<16xf32, #tpu.memory_space<hbm>>
      tpu.wait_dma2 semaphore(%run_scoped3A : memref<!tpu.dma_semaphore, #tpu.memory_space<semaphore_mem>>) src(%arg11 : memref<16xf32, #tpu.memory_space<vmem>>) dst(%dma_wait3A_11 : memref<16xf32, #tpu.memory_space<hbm>>)
      tpu.yield
    }) : () -> ()
    return
  }
}

</mosaic_0001>

<sc_bundles>
// kernel: kernel.3.cloned.1.call-start
scs
__scs_entry_jumppad:
0x0: {  	(pc) =	sbr.rel $0x88, $3  }
0x1: {  	(tag) =	ssettag $0x0;
	lr =	simm.s32 $0x1  }
0x2: {  	[smem:$0x3F9D] =	sst lr;
	_ =	strace $0xD0000000  }
0x3: {  	_ = 	snop  }
0x4: {  	_ = 	snop  }
0x5: {  	_ = 	snop  }
0x6: {  	_ = 	snop  }
0x7: {  	_ = 	snop  }
__scs_overlays_trampoline_lowered:
0x8: {  	[smem:$0x3FAC] =	sst s0  }
0x9: {  	[smem:$0x3FAD] =	sst s1  }
0xa: {  	[smem:$0x3FAE] =	sst s2  }
0xb: {  	[smem:$0x3FAF] =	sst s3  }
0xc: {  	[smem:$0x3FB0] =	sst s4  }
0xd: {  	[smem:$0x3FB1] =	sst s5  }
0xe: {  	[smem:$0x3FB2] =	sst s6  }
0xf: {  	[smem:$0x3FB3] =	sst s7  }
0x10: {  	[smem:$0x3FB4] =	sst s8  }
0x11: {  	[smem:$0x3FB5] =	sst s9;
	s0 =	simm.s32 @!p0 $0x0  }
0x12: {  	s1 =	sld [smem:$0x3F9B];
	s0 =	simm.s32 @p0 $0x1  }
0x13: {  	[smem:$0x3FB6] =	sst s0;
	s0 =	simm.s32 @!p1 $0x0  }
0x14: {  	s2 =	sld [smem:$0x3F9A];
	s0 =	simm.s32 @p1 $0x1  }
0x15: {  	[smem:$0x3FB7] =	sst s0;
	s0 =	simm.s32 @!p2 $0x0  }
0x16: {  	s3 =	sld [smem:$0x3FDB];
	s0 =	simm.s32 @p2 $0x1  }
0x17: {  	s4 =	simm.s32 $0x1BF5;
	[smem:$0x3FB9] =	sst s0  }
0x18: {  	s0 =	sld [smem:$0x3F9C];
	_ =	swait.ge [sflag:s4], $0x0  }
0x19: {  	s7 =	sld [smem:$0x3F9D]  }
0x1a: {  	s8 =	sadd.s32 $0xFFFFE003, lr  }
0x1b: {  	s9 =	sadd.s32 $0xFFFFFEF7, lr;
	s5 =	simm.s32 $0xFFFFFFFF;
	p2 =	slt.u32 s8, $0xFFFFF086  }
0x1c: {  	p1 =	slt.u32 s9, $0xF7A;
	s5 =	simm.s32 @!p2 $0x0  }
0x1d: {  	s5 =	simm.s32 @p1 $0x1;
	p0 =	seq.s32 s7, s2  }
0x1e: {  	s7 =	smul.u32 @!p0 $0xF7A, s2;
	p2 =	seq.s32 @!p0 s5, $0x0  }
0x1f: {  	s9 =	smul.u32 $0xF7A, s1;
	s8 =	simm.s32 @!p0 $0x1BF5;
	p2 =	por !p2, p0  }
0x20: {  	[sflag:s8] =	ssyncset.s32 @!p0 $0xFFFFF086;
	s6 =	sadd.s32 @!p0 s3, s7;
	s7 =	simm.s32 @!p0 $0x108  }
0x21: {  	s3 =	sadd.s32 s3, s9;
	s6 =	sadd.s32 @!p0 $0x88, s6;
	s7 =	simm.s32 @p2 $0x1082  }
0x22: {  	[simem:s7], [sflag:s8] =	dma.local @!p0 [hbm:s6], $0xF7A  }
0x23: {  	s9 =	sor.u32 $0xD0000000, s2;
	s6 =	simm.s32 $0x108;
	_ =	swait.ge @!p0 [sflag:s8], $0x0  }
0x24: {  	s3 =	sadd.s32 $0x88, s3;
	s6 =	simm.s32 @!p1 $0x1082;
	[sflag:s4] =	ssyncset.s32 $0xFFFFF086  }
0x25: {  	[simem:s6], [sflag:s4] =	dma.local [hbm:s3], $0xF7A  }
0x26: {  	[smem:$0x3F9D] =	sst s1;
	(tag) =	ssettag s2;
	_ =	strace s9  }
0x27: {  	s1 =	sld [smem:$0x3FAD]  }
0x28: {  	s2 =	sld [smem:$0x3FAE]  }
0x29: {  	s4 =	sld [smem:$0x3FB0]  }
0x2a: {  	p0 =	seq.s32 s5, $0x0;
	s5 =	sld [smem:$0x3FB1]  }
0x2b: {  	s6 =	sld [smem:$0x3FB2]  }
0x2c: {  	s7 =	sld [smem:$0x3FB3]  }
0x2d: {  	s3 =	simm.s32 $0x108;
	s8 =	sld [smem:$0x3FB4]  }
0x2e: {  	s3 =	simm.s32 @!p0 $0x1082;
	s9 =	sld [smem:$0x3FB5]  }
0x2f: {  	lr =	sadd.s32 s0, s3;
	s0 =	sld [smem:$0x3FAC]  }
0x30: {  	s3 =	sld [smem:$0x3FAF]  }
0x31: {  	[smem:$0x3FB8] =	sst s10  }
0x32: {  	s10 =	sld [smem:$0x3FB6];
	_ =	sdelay $0x3  }
0x33: {  	p0 =	seq.s32 s10, $0x1;
	s10 =	sld [smem:$0x3FB8];
	_ =	sdelay $0x3  }
0x34: {  	[smem:$0x3FB8] =	sst s10  }
0x35: {  	s10 =	sld [smem:$0x3FB7];
	_ =	sdelay $0x3  }
0x36: {  	p1 =	seq.s32 s10, $0x1;
	s10 =	sld [smem:$0x3FB8];
	_ =	sdelay $0x3  }
0x37: {  	[smem:$0x3FB8] =	sst s10  }
0x38: {  	s10 =	sld [smem:$0x3FB9]  }
0x39: {  	_ = 	snop;
	(pc) =	sbr.ind lr, $3  }
0x3a: {  	_ = 	snop  }
0x3b: {  	_ = 	snop  }
0x3c: {  	p2 =	seq.s32 s10, $0x1;
	s10 =	sld [smem:$0x3FB8]  }
0x3d: {  	_ =	shalt  }
0x3e: {  	_ =	shalt  }
0x3f: {  	_ =	shalt  }
0x40: {  	_ =	shalt  }
0x41: {  	_ =	shalt  }
0x42: {  	_ =	shalt  }
0x43: {  	_ =	shalt  }
0x44: {  	_ =	shalt  }
0x45: {  	_ =	shalt  }
0x46: {  	_ =	shalt  }
0x47: {  	_ =	shalt  }
0x48: {  	_ =	shalt  }
0x49: {  	_ =	shalt  }
0x4a: {  	_ =	shalt  }
0x4b: {  	_ =	shalt  }
0x4c: {  	_ =	shalt  }
0x4d: {  	_ =	shalt  }
0x4e: {  	_ =	shalt  }
0x4f: {  	_ =	shalt  }
0x50: {  	_ =	shalt  }
0x51: {  	_ =	shalt  }
0x52: {  	_ =	shalt  }
0x53: {  	_ =	shalt  }
0x54: {  	_ =	shalt  }
0x55: {  	_ =	shalt  }
0x56: {  	_ =	shalt  }
0x57: {  	_ =	shalt  }
0x58: {  	_ =	shalt  }
0x59: {  	_ =	shalt  }
0x5a: {  	_ =	shalt  }
0x5b: {  	_ =	shalt  }
0x5c: {  	_ =	shalt  }
0x5d: {  	_ =	shalt  }
0x5e: {  	_ =	shalt  }
0x5f: {  	_ =	shalt  }
0x60: {  	_ =	shalt  }
0x61: {  	_ =	shalt  }
0x62: {  	_ =	shalt  }
0x63: {  	_ =	shalt  }
0x64: {  	_ =	shalt  }
0x65: {  	_ =	shalt  }
0x66: {  	_ =	shalt  }
0x67: {  	_ =	shalt  }
0x68: {  	_ =	shalt  }
0x69: {  	_ =	shalt  }
0x6a: {  	_ =	shalt  }
0x6b: {  	_ =	shalt  }
0x6c: {  	_ =	shalt  }
0x6d: {  	_ =	shalt  }
0x6e: {  	_ =	shalt  }
0x6f: {  	_ =	shalt  }
0x70: {  	_ =	shalt  }
0x71: {  	_ =	shalt  }
0x72: {  	_ =	shalt  }
0x73: {  	_ =	shalt  }
0x74: {  	_ =	shalt  }
0x75: {  	_ =	shalt  }
0x76: {  	_ =	shalt  }
0x77: {  	_ =	shalt  }
0x78: {  	_ =	shalt  }
0x79: {  	_ =	shalt  }
0x7a: {  	_ =	shalt  }
0x7b: {  	_ =	shalt  }
0x7c: {  	_ =	shalt  }
0x7d: {  	_ =	shalt  }
0x7e: {  	_ =	shalt  }
0x7f: {  	_ =	shalt  }
0x80: {  	_ =	shalt  }
0x81: {  	_ =	shalt  }
0x82: {  	_ =	shalt  }
0x83: {  	_ =	shalt  }
0x84: {  	_ =	shalt  }
0x85: {  	_ =	shalt  }
0x86: {  	_ =	shalt  }
0x87: {  	_ =	shalt  }
.Lfunc_end0:
.L_simem_size_0:
called_computation_lowered:
.L_overlay_start_0:
0x88: {  	s2 =	sld [smem:$0x3FD9]  }
0x89: {  	s3 =	sld [smem:$0x3FFE];
	_ =	sdelay $0x1  }
0x8a: {  	s1 =	srdreg.scid  }
0x8b: {  	s0 =	sand.u32 $0x1, s1  }
0x8c: {  	s17 =	sshll.u32 s0, $0xA;
	s2 =	sadd.s32 s3, s2  }
0x8d: {  	s2 =	sadd.s32 s2, s17  }
0x8e: {  	[smem:$0x3FC4] =	sst s2  }
0x8f: {  	_ = 	snop  }
0x90: {  	s2 =	sld [smem:$0x3FC9]  }
0x91: {  	s18 =	sld [smem:$0x3FC8]  }
0x92: {  	s4 =	sld [smem:$0x3FC6];
	(tm) =	ssettm $0x1  }
0x93: {  	s5 =	sld [smem:$0x3FFB];
	_ =	sdelay $0x3  }
0x94: {  	_ =	strace s5  }
0x95: {  	s5 =	sld [smem:$0x3FFC];
	_ =	sdelay $0x3  }
0x96: {  	_ =	strace s5  }
0x97: {  	s5 =	sld [smem:$0x3FFD];
	_ =	sdelay $0x3  }
0x98: {  	_ =	strace s5  }
0x99: {  	_ =	strace $0x8FFFFFFF  }
0x9a: {  	s19 =	sld [smem:$0x3FDB];
	_ =	sdelay $0x1  }
0x9b: {  	s6 =	simm.s32 $_scs_section_size  }
0x9c: {  	s7 =	simm.s32 $_size__tile_overlayer_lowered;
	s8 =	simm.s32 $_tile_overlayer_lowered  }
0x9d: {  	s22 =	simm.s32 $0x1BFF;
	s21 =	sshll.u32 s8, $0x1;
	s5 =	sadd.s32 s6, s19  }
0x9e: {  	s9 =	simm.s32 $0x0;
	s20 =	sshll.u32 s7, $0x1;
	s7 =	sadd.s32 s21, s5  }
0x9f: {  	[timem:s9], [sflag:s22] =	dma.local [hbm:s7], s20  }
0xa0: {  	_ =	swait.ge [sflag:s22], s20  }
0xa1: {  	s6 =	ssub.s32 $0x0, s20;
	[sflag:s22] =	ssyncset.done $0x0  }
0xa2: {  	[sflag:s22] =	ssyncadd.s32 s6;
	_ =	sdelay $0x1  }
0xa3: {  	s23 =	simm.s32 $0x1B8B  }
0xa4: {  	_ =	swait.ge [sflag:s23], $0x1  }
0xa5: {  	[sflag:s23] =	ssyncset.done $0x0  }
0xa6: {  	s25 =	simm.s32 $0x1B8E;
	s24 =	sld [smem:$0x3FFE];
	[sflag:s23] =	ssyncadd.s32 $0xFFFFFFFF  }
0xa7: {  	s26 =	simm.s32 $execute0_lowered;
	[smem:$0x3FD2] =	sst s25  }
0xa8: {  	s7 =	sshll.u32 s26, $0x1;
	_ =	strace $0x80000046;
	[dreg:$0x1] =	wrdreg $0xFFFFFFFF  }
0xa9: {  	s28 =	simm.s32 $_size_execute0_lowered;
	s5 =	sadd.s32 s5, s7;
	[dreg:$0x0] =	wrdreg $0x0  }
0xaa: {  	s7 =	sshll.u32 s28, $0x1;
	[dreg:$0x2] =	wrdreg s5  }
0xab: {  	[dreg:$0x3] =	wrdreg s7  }
0xac: {  	[dreg:$0x4] =	wrdreg $0xC0  }
0xad: {  	_ =	task [dreg:s9], $0x5FFFF  }
0xae: {  	[dreg:$0x1] =	wrdreg $0xFFFFFFFF  }
0xaf: {  	[dreg:$0x0] =	wrdreg $0x60  }
0xb0: {  	[dreg:$0x2] =	wrdreg s2  }
0xb1: {  	[dreg:$0x3] =	wrdreg s18  }
0xb2: {  	[dreg:$0x4] =	wrdreg s24  }
0xb3: {  	[dreg:$0x5] =	wrdreg s4  }
0xb4: {  	[dreg:$0x6] =	wrdreg $0x9  }
0xb5: {  	_ =	task.clear_ibuf [dreg:s9], $0x7FFFF;
	_ =	strace $0x90000046  }
0xb6: {  	s29 =	simm.s32 $0x9;
	_ =	strace $0x80000048  }
0xb7: {  	_ =	swait.ge [sflag:s29], $0x1  }
0xb8: {  	[sflag:s29] =	ssyncadd.s32 $0xFFFFFFFF  }
0xb9: {  	_ =	strace $0x90000048  }
0xba: {  	_ =	sfence  }
0xbb: {  	s30 =	sld [smem:$0x0];
	_ =	sdelay $0x2  }
0xbc: {  	s31 =	sshll.u32 s1, $0xD;
	s1 =	sshrl.u32 s1, $0x2  }
0xbd: {  	s3 =	sand.u32 $0x4000, s31;
	s1 =	sadd.s32 s1, s30  }
0xbe: {  	s0 =	sor.u32 s3, s0;
	s1 =	sshll.u32 s1, $0x11  }
0xbf: {  	s0 =	sor.u32 s1, s0  }
0xc0: {  	s0 =	sadd.s32 $0x8F2B, s0  }
0xc1: {  	[sflag:s0] =	ssyncadd.remote.s32 $0x1  }
0xc2: {  	_ =	sfence.sel $0xFFFF  }
0xc3: {  	[dreg:$0x0] =	wrdreg $0xFFFFFFFF;
	(pc) =	sbr.abs _section_cstart, $3  }
0xc4: {  	[dreg:$0x1] =	wrdreg $0xFFFFFFFF  }
0xc5: {  	_ =	task.clear_ibuf [dreg:s9], $0x2FFFF;
	_ =	strace $0x9FFFFFFF  }
0xc6: {  	(tm) =	ssettm $0x7FFFFFFF  }
0xc7: {  	_ =	shalt  }
tec
execute0_lowered:
.L_overlay_start_1:
0x0: {  	(tag) =	ssettag $0x1  }
0x1: {  	s1 =	rddreg [dreg:$0x0]  }
0x2: {  	s3 =	rddreg [dreg:$0x1]  }
0x3: {  	s4 =	rddreg [dreg:$0x2]  }
0x4: {  	s5 =	rddreg [dreg:$0x3]  }
0x5: {  	s6 =	srdreg.scid;
	s2 =	stileid.u32  }
0x6: {  	s0 =	rddreg [dreg:$0x4];
	s11 =	simm.s32 $0x13F00;
	s12 =	simm.s32 $0x14F00  }
0x7: {  	s13 =	simm.s32 $0x15F00;
	s14 =	simm.s32 $0x16F00;
	s15 =	simm.s32 $0x0  }
0x8: {  	s7 =	sand.u32 $0x1, s6;
	s8 =	sshll.u32 s2, $0x1;
	s6 =	simm.s32 $0x0  }
0x9: {  	s8 =	sor.u32 s7, s8;
	s7 =	ssub.s32 $0x2, s7;
	[smem:$0x7FF] =	sst s6  }
0xa: {  	s9 =	sshll.u32 s8, $0x1;
	s10 =	sshrl.u32 s7, $0x1;
	_ =	strace $0x80000047  }
0xb: {  	s9 =	sadd.s32 s9, s4;
	s10 =	ssub.s32 s7, s10;
	s7 =	sshll.u32 s8, $0xC  }
0xc: {  	s8 =	sadd.s32 $0x2800, s9;
	s9 =	smax.u32 s10, $0x1;
	s10 =	simm.s32 $0x1  }
.LBB2_1:
0xd: {  	[tilespmem:s6], [sflag:$0x1] =	stream.linear.gather [hbm4b:s4+s6], $0x13F00, $0x38;
	[tilespmem:$0x16F80] =	vst v63  }
0xe: {  	_ =	swait.ge [sflag:s10], $0x13F00  }
0xf: {  	[sflag:s10] =	ssyncset.done $0x0  }
0x10: {  	v0 =	vimm.f32 $0.0e+00;
	s16 =	simm.s32 $0x0;
	[sflag:s10] =	ssyncadd.s32 $0xFFFEC100  }
.LBB2_2:
0x11: {  	s17 =	sshll.u32 s16, $0x9  }
0x12: {  	s17 =	sadd.s32 s7, s17  }
0x13: {  	s19 =	simm.s32 $0x0;
	s18 =	sadd.s32 s5, s17  }
0x14: {  	[tilespmem:s11], [sflag:$0x1] =	stream.linear.gather [hbm4b:s18+s19], $0x1000, $0x38;
	[tilespmem:$0x16F80] =	vst v63  }
0x15: {  	_ =	swait.ge [sflag:s10], $0x1000  }
0x16: {  	[sflag:s10] =	ssyncset.done $0x0  }
0x17: {  	s26 =	sadd.s32 s1, s17;
	[sflag:s10] =	ssyncadd.s32 $0xFFFFF000  }
0x18: {  	[tilespmem:s12], [sflag:$0x1] =	stream.linear.gather [hbm4b:s26+s19], $0x1000, $0x38;
	[tilespmem:$0x16F80] =	vst v63  }
0x19: {  	_ =	swait.ge [sflag:s10], $0x1000  }
0x1a: {  	[sflag:s10] =	ssyncset.done $0x0  }
0x1b: {  	s17 =	sadd.s32 s3, s17;
	[sflag:s10] =	ssyncadd.s32 $0xFFFFF000  }
0x1c: {  	[tilespmem:s13], [sflag:$0x1] =	stream.linear.gather [hbm4b:s17+s19], $0x1000, $0x38;
	[tilespmem:$0x16F80] =	vst v63  }
0x1d: {  	_ =	swait.ge [sflag:s10], $0x1000  }
0x1e: {  	s28 =	sand.u32 $0xF00, s19;
	s29 =	sand.u32 $0x70, s19;
	[sflag:s10] =	ssyncset.done $0x0  }
0x1f: {  	s18 =	sor.u32 s29, s28;
	[sflag:s10] =	ssyncadd.s32 $0xFFFFF000  }
0x20: {  	v1 =	vld [tilespmem:s18+$0x13F00]  }
0x21: {  	v2 =	vld [tilespmem:s18+$0x13F80];
	_ =	sdelay $0x3  }
0x22: {  	v1 =	vmul.u32 $0x194, v1  }
0x23: {  	v2 =	vshll.u32 v2, $0x1  }
0x24: {  	v1 =	vadd.s32 v1, v2  }
0x25: {  	v2 =	vor.u32 $0x1, v1  }
0x26: {  	v3 =	vadd.s32 $0x4, v1;
	v5 =	vadd.s32 $0xFFFFFE71, v1  }
0x27: {  	v4 =	vld [tilespmem:s18+$0x15F80];
	v7 =	vadd.s32 $0xFFFFFE6F, v1;
	v9 =	vadd.s32 $0x328, v1;
	v10 =	vadd.s32 $0xFFFFFE70, v1  }
0x28: {  	v6 =	vld [tilespmem:s18+$0x15F00];
	v11 =	vadd.s32 $0xFFFFFE6B, v1;
	v12 =	vadd.s32 $0x194, v1;
	v13 =	vadd.s32 $0xFFFFFE6C, v1  }
0x29: {  	v14 =	vadd.s32 $0xFFFFFE6E, v1;
	v15 =	vadd.s32 $0x3, v1;
	v16 =	vadd.s32 $0x5, v1;
	v8 =	vld.idx.msk [tilespmem:v1+s6+$0x0], $0xffff  }
0x2a: {  	v17 =	vadd.s32 $0xFFFFFE6D, v1;
	v18 =	vadd.s32 $0xFFFFFFFE, v1;
	v19 =	vadd.s32 $0x192, v1;
	v2 =	vld.idx.msk [tilespmem:v2+s6+$0x0], $0xffff  }
0x2b: {  	v20 =	vadd.s32 $0xFFFFFE6A, v1;
	v21 =	vadd.s32 $0x196, v1;
	v22 =	vadd.s32 $0x326, v1;
	v3 =	vld.idx.msk [tilespmem:v3+s6+$0x0], $0xffff  }
0x2c: {  	v23 =	vadd.s32 $0x198, v1;
	v24 =	vadd.s32 $0x32C, v1;
	v25 =	vadd.s32 $0x195, v1;
	v5 =	vld.idx.msk [tilespmem:v5+s6+$0x0], $0xffff  }
0x2d: {  	v26 =	vadd.s32 $0x32A, v1;
	v27 =	vadd.s32 $0x329, v1;
	v30 =	vadd.s32 $0x197, v1;
	v7 =	vld.idx.msk [tilespmem:v7+s6+$0x0], $0xffff  }
0x2e: {  	v31 =	vadd.s32 $0x199, v1;
	v39 =	vadd.s32 $0xFFFFFFFF, v1;
	v10 =	vld.idx.msk [tilespmem:v10+s6+$0x0], $0xffff;
	v6 =	vsub.f32 v6, v8  }
0x2f: {  	v40 =	vadd.s32 $0x2, v1;
	v41 =	vadd.s32 $0x327, v1;
	v13 =	vld.idx.msk [tilespmem:v13+s6+$0x0], $0xffff;
	v4 =	vsub.f32 v4, v2  }
0x30: {  	v55 =	vadd.s32 $0x193, v1;
	v12 =	vld.idx.msk [tilespmem:v12+s6+$0x0], $0xffff;
	v28 =	vmul.f32 $5.000000000e-01, v6;
	v32 =	vmul.f32 $1.500000000e+00, v6  }
0x31: {  	v42 =	vadd.s32 $0x32B, v1;
	v1 =	vadd.s32 $0x32D, v1;
	v17 =	vld.idx.msk [tilespmem:v17+s6+$0x0], $0xffff;
	v29 =	vmul.f32 $5.000000000e-01, v4  }
0x32: {  	v9 =	vld.idx.msk [tilespmem:v9+s6+$0x0], $0xffff;
	v33 =	vmul.f32 $1.500000000e+00, v4;
	v34 =	vsub.f32 $1.000000000e+00, v28;
	v36 =	vsub.f32 $2.000000000e+00, v32  }
0x33: {  	v22 =	vld.idx.msk [tilespmem:v22+s6+$0x0], $0xffff;
	v37 =	vmul.f32 v4, v4;
	v35 =	vsub.f32 $1.000000000e+00, v29;
	v29 =	vadd.f32 $-5.000000000e-01, v29  }
0x34: {  	v27 =	vld.idx.msk [tilespmem:v27+s6+$0x0], $0xffff;
	v56 =	vmul.f32 v6, v6;
	v38 =	vsub.f32 $2.000000000e+00, v33;
	v34 =	vmul.f32 v34, v6  }
0x35: {  	v26 =	vld.idx.msk [tilespmem:v26+s6+$0x0], $0xffff;
	v33 =	vadd.f32 $-2.500000000e+00, v33;
	v36 =	vmul.f32 v36, v6;
	v29 =	vmul.f32 v29, v37  }
0x36: {  	v20 =	vld.idx.msk [tilespmem:v20+s6+$0x0], $0xffff;
	v35 =	vmul.f32 v35, v4;
	v38 =	vmul.f32 v38, v4  }
0x37: {  	v18 =	vld.idx.msk [tilespmem:v18+s6+$0x0], $0xffff;
	v33 =	vmul.f32 v33, v37;
	v3 =	vmul.f32 v3, v29  }
0x38: {  	v16 =	vld.idx.msk [tilespmem:v16+s6+$0x0], $0xffff;
	v35 =	vadd.f32 $-5.000000000e-01, v35;
	v5 =	vmul.f32 v5, v29;
	v10 =	vmul.f32 v10, v29  }
0x39: {  	v1 =	vld.idx.msk [tilespmem:v1+s6+$0x0], $0xffff;
	v8 =	vmul.f32 v33, v8;
	v27 =	vmul.f32 v27, v33  }
0x3a: {  	v11 =	vld.idx.msk [tilespmem:v11+s6+$0x0], $0xffff;
	v38 =	vadd.f32 $-5.000000000e-01, v38;
	v9 =	vmul.f32 v9, v33;
	v35 =	vmul.f32 v35, v4  }
0x3b: {  	v54 =	vld.idx.msk [tilespmem:v40+s6+$0x0], $0xffff;
	v34 =	vadd.f32 $-5.000000000e-01, v34;
	v12 =	vmul.f32 v12, v33;
	v2 =	vmul.f32 v33, v2  }
0x3c: {  	v15 =	vld.idx.msk [tilespmem:v15+s6+$0x0], $0xffff;
	v17 =	vmul.f32 v17, v33;
	v4 =	vmul.f32 v38, v4;
	v35 =	vadd.f32 $-5.000000000e-01, v35  }
0x3d: {  	v53 =	vld.idx.msk [tilespmem:v39+s6+$0x0], $0xffff;
	v36 =	vadd.f32 $-5.000000000e-01, v36;
	v16 =	vmul.f32 v16, v29;
	v13 =	vmul.f32 v33, v13  }
0x3e: {  	v14 =	vld.idx.msk [tilespmem:v14+s6+$0x0], $0xffff;
	v1 =	vmul.f32 v1, v29;
	v4 =	vadd.f32 $5.000000000e-01, v4;
	v18 =	vmul.f32 v18, v35  }
0x3f: {  	v19 =	vld.idx.msk [tilespmem:v19+s6+$0x0], $0xffff;
	v32 =	vadd.f32 $-2.500000000e+00, v32;
	v34 =	vmul.f32 v34, v6;
	v6 =	vmul.f32 v36, v6  }
0x40: {  	v21 =	vld.idx.msk [tilespmem:v21+s6+$0x0], $0xffff;
	v8 =	vadd.f32 v18, v8;
	v18 =	vmul.f32 v26, v4;
	v26 =	vmul.f32 v54, v4  }
0x41: {  	v24 =	vld.idx.msk [tilespmem:v24+s6+$0x0], $0xffff;
	v6 =	vadd.f32 $5.000000000e-01, v6;
	v20 =	vmul.f32 v35, v20;
	v22 =	vmul.f32 v22, v35  }
0x42: {  	v57 =	vld.idx.msk [tilespmem:v55+s6+$0x0], $0xffff;
	v15 =	vmul.f32 v15, v4;
	v11 =	vmul.f32 v35, v11;
	v8 =	vadd.f32 v26, v8  }
0x43: {  	v7 =	vmul.f32 v4, v7;
	v37 =	vmul.f32 v53, v35;
	v9 =	vadd.f32 v9, v22;
	v22 =	vld.idx.msk [tilespmem:v25+s6+$0x0], $0xffff  }
0x44: {  	v11 =	vadd.f32 v11, v17;
	v3 =	vadd.f32 v3, v8;
	v8 =	vmul.f32 v19, v35;
	v19 =	vld.idx.msk [tilespmem:v23+s6+$0x0], $0xffff  }
0x45: {  	v14 =	vmul.f32 v4, v14;
	v13 =	vadd.f32 v20, v13;
	v2 =	vadd.f32 v37, v2;
	v23 =	vld.idx.msk [tilespmem:v41+s6+$0x0], $0xffff  }
0x46: {  	v30 =	vld.idx.msk [tilespmem:v30+s6+$0x0], $0xffff;
	v9 =	vadd.f32 v18, v9;
	v18 =	vmul.f32 v24, v29;
	v24 =	vadd.f32 $-5.000000000e-01, v34  }
0x47: {  	s30 =	simm.s32 $0x20;
	s31 =	simm.s32 $0x10;
	v21 =	vmul.f32 v21, v4;
	v26 =	vld.idx.msk [tilespmem:v42+s6+$0x0], $0xffff;
	v7 =	vadd.f32 v11, v7;
	v13 =	vadd.f32 v13, v14  }
0x48: {  	s17 =	sand.u32 $0xF00, s30;
	s19 =	sand.u32 $0x70, s31;
	v25 =	vmul.f32 v32, v56;
	v17 =	vld.idx.msk [tilespmem:v31+s6+$0x0], $0xffff;
	v2 =	vadd.f32 v15, v2;
	v8 =	vadd.f32 v12, v8  }
0x49: {  	s17 =	sor.u32 s19, s17;
	v9 =	vadd.f32 v18, v9;
	v22 =	vmul.f32 v22, v33;
	v12 =	vmul.f32 v57, v35  }
0x4a: {  	v8 =	vadd.f32 v21, v8;
	v21 =	vld [tilespmem:s17+$0x13F00];
	v11 =	vmul.f32 v19, v29;
	v19 =	vmul.f32 v23, v35  }
0x4b: {  	v20 =	vmul.f32 v30, v4;
	v5 =	vadd.f32 v7, v5;
	v7 =	vld [tilespmem:s17+$0x13F80];
	v12 =	vadd.f32 v22, v12  }
0x4c: {  	v18 =	vadd.f32 $-5.000000000e-01, v28;
	v4 =	vmul.f32 v26, v4;
	v19 =	vadd.f32 v27, v19  }
0x4d: {  	v2 =	vadd.f32 v16, v2;
	v17 =	vmul.f32 v17, v29;
	v12 =	vadd.f32 v20, v12  }
0x4e: {  	v10 =	vadd.f32 v13, v10;
	v5 =	vmul.f32 v5, v24;
	v4 =	vadd.f32 v4, v19  }
0x4f: {  	v2 =	vmul.f32 v2, v25;
	v12 =	vadd.f32 v17, v12;
	v13 =	vmul.u32 $0x194, v21  }
0x50: {  	v3 =	vmul.f32 v3, v25;
	v1 =	vadd.f32 v1, v4;
	v4 =	vshll.u32 v7, $0x1  }
0x51: {  	v2 =	vadd.f32 v2, v5;
	v12 =	vmul.f32 v12, v6;
	v13 =	vadd.s32 v13, v4  }
0x52: {  	v7 =	vmul.f32 v10, v24;
	v4 =	vadd.f32 v11, v8;
	v8 =	vor.u32 $0x1, v13  }
0x53: {  	v14 =	vld [tilespmem:s18+$0x14F80];
	v10 =	vadd.s32 $0x4, v13;
	v11 =	vadd.s32 $0x328, v13;
	v15 =	vadd.s32 $0xFFFFFE6B, v13  }
0x54: {  	v26 =	vld [tilespmem:s17+$0x15F00];
	v16 =	vadd.s32 $0xFFFFFE70, v13;
	v17 =	vadd.s32 $0x194, v13;
	v20 =	vadd.s32 $0xFFFFFE6E, v13  }
0x55: {  	v22 =	vld [tilespmem:s17+$0x15F80];
	v21 =	vadd.s32 $0xFFFFFE71, v13;
	v23 =	vadd.s32 $0x3, v13;
	v24 =	vadd.s32 $0xFFFFFE6C, v13  }
0x56: {  	v19 =	vld [tilespmem:s18+$0x14F00];
	v25 =	vadd.s32 $0xFFFFFE6F, v13;
	v27 =	vadd.s32 $0x5, v13;
	v28 =	vadd.s32 $0xFFFFFE6D, v13  }
0x57: {  	v29 =	vadd.s32 $0xFFFFFFFE, v13;
	v31 =	vadd.s32 $0x192, v13;
	v58 =	vadd.s32 $0xFFFFFE6A, v13;
	v30 =	vld.idx.msk [tilespmem:v13+s6+$0x0], $0xffff  }
0x58: {  	v59 =	vadd.s32 $0x196, v13;
	v61 =	vadd.s32 $0x198, v13;
	v62 =	vadd.s32 $0x32C, v13;
	v60 =	vld.idx.msk [tilespmem:v8+s6+$0x0], $0xffff  }
0x59: {  	v37 =	vadd.s32 $0x195, v13;
	v63 =	vadd.s32 $0x197, v13;
	v51 =	vadd.s32 $0x32A, v13;
	v10 =	vld.idx.msk [tilespmem:v10+s6+$0x0], $0xffff  }
0x5a: {  	v3 =	vadd.f32 v3, v7;
	v7 =	vmul.f32 v18, v56;
	v4 =	vmul.f32 v4, v6;
	v6 =	vld.idx.msk [tilespmem:v21+s6+$0x0], $0xffff  }
0x5b: {  	v40 =	vadd.s32 $0x327, v13;
	v45 =	vadd.s32 $0x2, v13;
	v55 =	vadd.s32 $0x193, v13;
	v25 =	vld.idx.msk [tilespmem:v25+s6+$0x0], $0xffff  }
0x5c: {  	v3 =	vadd.f32 v4, v3;
	v8 =	vadd.s32 $0x326, v13;
	v5 =	vld.idx.msk [tilespmem:v16+s6+$0x0], $0xffff;
	v41 =	vsub.f32 v26, v30  }
0x5d: {  	v4 =	vmul.f32 v9, v7;
	v16 =	vadd.s32 $0x329, v13;
	v24 =	vld.idx.msk [tilespmem:v24+s6+$0x0], $0xffff;
	v9 =	vsub.f32 v22, v60  }
0x5e: {  	v1 =	vmul.f32 v1, v7;
	v7 =	vadd.f32 v12, v2;
	v17 =	vld.idx.msk [tilespmem:v17+s6+$0x0], $0xffff;
	v2 =	vmul.f32 $5.000000000e-01, v41  }
0x5f: {  	v4 =	vadd.f32 v4, v3;
	v26 =	vld.idx.msk [tilespmem:v11+s6+$0x0], $0xffff;
	v18 =	vmul.f32 $1.500000000e+00, v41;
	v3 =	vmul.f32 $5.000000000e-01, v9  }
0x60: {  	v11 =	vadd.f32 v1, v7;
	v22 =	vld.idx.msk [tilespmem:v28+s6+$0x0], $0xffff;
	v12 =	vmul.f32 $1.500000000e+00, v9;
	v1 =	vsub.f32 $1.000000000e+00, v2  }
0x61: {  	v7 =	vadd.s32 $0xFFFFFFFF, v13;
	v28 =	vld.idx.msk [tilespmem:v8+s6+$0x0], $0xffff;
	v43 =	vsub.f32 $2.000000000e+00, v18;
	v52 =	vsub.f32 $1.000000000e+00, v3  }
0x62: {  	v16 =	vld.idx.msk [tilespmem:v16+s6+$0x0], $0xffff;
	v8 =	vmul.f32 v9, v9;
	v3 =	vadd.f32 $-5.000000000e-01, v3;
	v44 =	vsub.f32 $2.000000000e+00, v12  }
0x63: {  	v32 =	vld.idx.msk [tilespmem:v58+s6+$0x0], $0xffff;
	v12 =	vadd.f32 $-2.500000000e+00, v12;
	v1 =	vmul.f32 v1, v41;
	v43 =	vmul.f32 v43, v41  }
0x64: {  	v21 =	vadd.s32 $0x199, v13;
	v15 =	vld.idx.msk [tilespmem:v15+s6+$0x0], $0xffff;
	v42 =	vmul.f32 v52, v9;
	v3 =	vmul.f32 v3, v8  }
0x65: {  	v23 =	vld.idx.msk [tilespmem:v23+s6+$0x0], $0xffff;
	v44 =	vmul.f32 v44, v9;
	v53 =	vmul.f32 v12, v8;
	v1 =	vadd.f32 $-5.000000000e-01, v1  }
0x66: {  	v47 =	vld.idx.msk [tilespmem:v7+s6+$0x0], $0xffff;
	v42 =	vadd.f32 $-5.000000000e-01, v42;
	v46 =	vmul.f32 v10, v3;
	v7 =	vmul.f32 v6, v3  }
0x67: {  	v4 =	vsub.f32 v19, v4;
	v5 =	vmul.f32 v5, v3;
	v8 =	vmul.f32 v16, v53;
	v16 =	vld.idx.msk [tilespmem:v27+s6+$0x0], $0xffff  }
0x68: {  	v19 =	vld.idx.msk [tilespmem:v29+s6+$0x0], $0xffff;
	v48 =	vmul.f32 v1, v41;
	v1 =	vadd.f32 $-5.000000000e-01, v44;
	v6 =	vmul.f32 v42, v9  }
0x69: {  	v56 =	vld.idx.msk [tilespmem:v20+s6+$0x0], $0xffff;
	v29 =	vadd.f32 $-5.000000000e-01, v43;
	v20 =	vmul.f32 v26, v53;
	v24 =	vmul.f32 v53, v24  }
0x6a: {  	v39 =	vld.idx.msk [tilespmem:v51+s6+$0x0], $0xffff;
	v9 =	vmul.f32 v1, v9;
	v1 =	vmul.f32 v41, v41;
	v10 =	vadd.f32 $-5.000000000e-01, v6  }
0x6b: {  	v54 =	vld.idx.msk [tilespmem:v45+s6+$0x0], $0xffff;
	v6 =	vsub.f32 v14, v11;
	v14 =	vmul.f32 v53, v30;
	v30 =	vmul.f32 v17, v53  }
0x6c: {  	v26 =	vld.idx.msk [tilespmem:v59+s6+$0x0], $0xffff;
	v11 =	vadd.f32 $5.000000000e-01, v9;
	v16 =	vmul.f32 v16, v3;
	v9 =	vmul.f32 v10, v32  }
0x6d: {  	v31 =	vld.idx.msk [tilespmem:v31+s6+$0x0], $0xffff;
	v27 =	vadd.s32 $0x32B, v13;
	v19 =	vmul.f32 v19, v10;
	v17 =	vmul.f32 v28, v10  }
0x6e: {  	v37 =	vld.idx.msk [tilespmem:v37+s6+$0x0], $0xffff;
	v13 =	vadd.s32 $0x32D, v13;
	v15 =	vmul.f32 v10, v15;
	v12 =	vmul.f32 v23, v11  }
0x6f: {  	v59 =	vld.idx.msk [tilespmem:v55+s6+$0x0], $0xffff;
	v57 =	vmul.f32 v11, v25;
	v25 =	vadd.f32 $-2.500000000e+00, v18;
	v18 =	vmul.f32 v53, v60  }
0x70: {  	v23 =	vld.idx.msk [tilespmem:v62+s6+$0x0], $0xffff;
	v28 =	vmul.f32 v54, v11;
	v60 =	vmul.f32 v22, v53;
	v14 =	vadd.f32 v19, v14  }
0x71: {  	v58 =	vld.idx.msk [tilespmem:v61+s6+$0x0], $0xffff;
	v62 =	vmul.f32 v26, v11;
	v19 =	vmul.f32 v39, v11;
	v22 =	vadd.f32 v20, v17  }
0x72: {  	v61 =	vld.idx.msk [tilespmem:v63+s6+$0x0], $0xffff;
	v20 =	vmul.f32 v47, v10;
	v17 =	vmul.f32 v25, v1;
	v14 =	vadd.f32 v28, v14  }
0x73: {  	v25 =	vmul.f32 v31, v10;
	v15 =	vadd.f32 v15, v60;
	v31 =	vmul.f32 v37, v53  }
0x74: {  	v39 =	vadd.f32 v19, v22;
	v22 =	vmul.f32 v11, v56;
	v14 =	vadd.f32 v46, v14  }
0x75: {  	v26 =	vld.idx.msk [tilespmem:v40+s6+$0x0], $0xffff;
	v19 =	vadd.f32 $-5.000000000e-01, v48;
	v28 =	vmul.f32 v59, v10;
	v63 =	vmul.f32 v23, v3  }
0x76: {  	v23 =	vadd.f32 v9, v24;
	v24 =	vld.idx.msk [tilespmem:v27+s6+$0x0], $0xffff;
	v9 =	vmul.f32 v14, v17;
	v14 =	vadd.f32 v30, v25  }
0x77: {  	v27 =	vmul.f32 v61, v11;
	v25 =	vld.idx.msk [tilespmem:v21+s6+$0x0], $0xffff;
	v30 =	vmul.f32 v29, v41;
	v29 =	vadd.f32 v15, v57  }
0x78: {  	s20 =	simm.s32 $0x40;
	s18 =	simm.s32 $0x20;
	v21 =	vmul.f32 v58, v3;
	v15 =	vld.idx.msk [tilespmem:v13+s6+$0x0], $0xffff;
	v13 =	vadd.f32 v63, v39;
	v14 =	vadd.f32 v62, v14  }
.LBB2_3:
0x79: {  	s19 =	smov.u32 s20  }
0x7a: {  	s21 =	sand.u32 $0xF00, s20;
	s22 =	sand.u32 $0x70, s18;
	v2 =	vadd.f32 $-5.000000000e-01, v2;
	v28 =	vadd.f32 v31, v28;
	v10 =	vmul.f32 v26, v10;
	s19 =	sadd.s32 $0x20, s20  }
0x7b: {  	p0 =	sne.s32 s20, $0xFE0;
	v11 =	vmul.f32 v24, v11;
	s21 =	sor.u32 s22, s21;
	v26 =	vadd.f32 $5.000000000e-01, v30;
	v7 =	vadd.f32 v29, v7  }
0x7c: {  	v18 =	vadd.f32 v20, v18;
	v25 =	vmul.f32 v25, v3;
	v20 =	vadd.f32 v27, v28;
	v24 =	vld [tilespmem:s21+$0x13F00]  }
0x7d: {  	v4 =	vmul.f32 v4, v4;
	v8 =	vadd.f32 v8, v10;
	v7 =	vmul.f32 v7, v19;
	v27 =	vld [tilespmem:s21+$0x13F80]  }
0x7e: {  	v6 =	vmul.f32 v6, v6;
	v10 =	vadd.f32 v23, v22;
	v20 =	vadd.f32 v25, v20  }
0x7f: {  	v12 =	vadd.f32 v12, v18;
	v8 =	vadd.f32 v11, v8;
	v3 =	vmul.f32 v15, v3  }
0x80: {  	v4 =	vadd.f32 v6, v4;
	v5 =	vadd.f32 v10, v5;
	v10 =	vmul.f32 v20, v26  }
0x81: {  	v11 =	vadd.f32 v16, v12;
	v3 =	vadd.f32 v3, v8;
	v6 =	vmul.u32 $0x194, v24  }
0x82: {  	v0 =	vadd.f32 v4, v0;
	v5 =	vmul.f32 v5, v19;
	v8 =	vshll.u32 v27, $0x1  }
0x83: {  	v4 =	vmul.f32 v11, v17;
	v12 =	vadd.s32 v6, v8;
	v6 =	vadd.f32 v21, v14  }
0x84: {  	v8 =	vor.u32 $0x1, v12;
	v11 =	vadd.s32 $0x4, v12;
	v16 =	vadd.s32 $0x328, v12;
	v17 =	vld [tilespmem:s17+$0x14F80]  }
0x85: {  	v18 =	vadd.s32 $0xFFFFFE6B, v12;
	v15 =	vadd.s32 $0xFFFFFE70, v12;
	v19 =	vadd.s32 $0x194, v12;
	v20 =	vld [tilespmem:s17+$0x14F00];
	s17 =	smov.u32 s21  }
0x86: {  	v22 =	vadd.s32 $0xFFFFFE6E, v12;
	v14 =	vadd.s32 $0xFFFFFE71, v12;
	v23 =	vadd.s32 $0x3, v12;
	v21 =	vld [tilespmem:s17+$0x15F80]  }
0x87: {  	v25 =	vadd.s32 $0xFFFFFE6C, v12;
	v27 =	vadd.s32 $0xFFFFFE6F, v12;
	v28 =	vadd.s32 $0x5, v12;
	v24 =	vld [tilespmem:s17+$0x15F00]  }
0x88: {  	v30 =	vadd.s32 $0xFFFFFE6D, v12;
	v31 =	vadd.s32 $0xFFFFFFFE, v12;
	v32 =	vadd.s32 $0x192, v12;
	v29 =	vld.idx.msk [tilespmem:v12+s6+$0x0], $0xffff  }
0x89: {  	v33 =	vadd.s32 $0xFFFFFE6A, v12;
	v35 =	vadd.s32 $0x196, v12;
	v34 =	vld.idx.msk [tilespmem:v8+s6+$0x0], $0xffff;
	v8 =	vadd.s32 $0x326, v12  }
0x8a: {  	v36 =	vadd.s32 $0x198, v12;
	v37 =	vadd.s32 $0x32C, v12;
	v6 =	vmul.f32 v6, v26;
	v11 =	vld.idx.msk [tilespmem:v11+s6+$0x0], $0xffff  }
0x8b: {  	v38 =	vadd.s32 $0x195, v12;
	v39 =	vadd.s32 $0x197, v12;
	v26 =	vld.idx.msk [tilespmem:v14+s6+$0x0], $0xffff;
	v14 =	vadd.s32 $0x199, v12  }
0x8c: {  	v1 =	vmul.f32 v2, v1;
	v2 =	vadd.f32 v9, v5;
	v40 =	vadd.s32 $0x32A, v12;
	v27 =	vld.idx.msk [tilespmem:v27+s6+$0x0], $0xffff  }
0x8d: {  	v4 =	vadd.f32 v4, v7;
	v9 =	vadd.s32 $0x327, v12;
	v41 =	vadd.s32 $0x329, v12;
	v5 =	vld.idx.msk [tilespmem:v15+s6+$0x0], $0xffff  }
0x8e: {  	v7 =	vmul.f32 v13, v1;
	v6 =	vadd.f32 v6, v2;
	v15 =	vsub.f32 v24, v29;
	v24 =	vld.idx.msk [tilespmem:v25+s6+$0x0], $0xffff  }
0x8f: {  	v1 =	vmul.f32 v3, v1;
	v4 =	vadd.f32 v10, v4;
	v13 =	vsub.f32 v21, v34;
	v19 =	vld.idx.msk [tilespmem:v19+s6+$0x0], $0xffff  }
0x90: {  	v6 =	vadd.f32 v7, v6;
	v2 =	vmul.f32 $5.000000000e-01, v15;
	v21 =	vmul.f32 $1.500000000e+00, v15;
	v25 =	vld.idx.msk [tilespmem:v30+s6+$0x0], $0xffff  }
0x91: {  	v3 =	vmul.f32 $5.000000000e-01, v13;
	v7 =	vmul.f32 $1.500000000e+00, v13;
	v30 =	vadd.f32 v1, v4;
	v16 =	vld.idx.msk [tilespmem:v16+s6+$0x0], $0xffff  }
0x92: {  	v10 =	vadd.s32 $0xFFFFFFFF, v12;
	v1 =	vsub.f32 $1.000000000e+00, v2;
	v4 =	vsub.f32 $2.000000000e+00, v21;
	v42 =	vld.idx.msk [tilespmem:v8+s6+$0x0], $0xffff  }
0x93: {  	v8 =	vmul.f32 v13, v13;
	v43 =	vsub.f32 $1.000000000e+00, v3;
	v3 =	vadd.f32 $-5.000000000e-01, v3;
	v40 =	vld.idx.msk [tilespmem:v40+s6+$0x0], $0xffff  }
0x94: {  	v44 =	vadd.f32 $-2.500000000e+00, v7;
	v7 =	vsub.f32 $2.000000000e+00, v7;
	v1 =	vmul.f32 v1, v15;
	v41 =	vld.idx.msk [tilespmem:v41+s6+$0x0], $0xffff  }
0x95: {  	v45 =	vadd.s32 $0x2, v12;
	v43 =	vmul.f32 v43, v13;
	v3 =	vmul.f32 v3, v8;
	v33 =	vld.idx.msk [tilespmem:v33+s6+$0x0], $0xffff  }
0x96: {  	v46 =	vmul.f32 v4, v15;
	v7 =	vmul.f32 v7, v13;
	v1 =	vadd.f32 $-5.000000000e-01, v1;
	v47 =	vld.idx.msk [tilespmem:v18+s6+$0x0], $0xffff  }
0x97: {  	v4 =	vsub.f32 v20, v6;
	v18 =	vadd.f32 $-5.000000000e-01, v43;
	v48 =	vmul.f32 v11, v3;
	v43 =	vld.idx.msk [tilespmem:v10+s6+$0x0], $0xffff  }
0x98: {  	v49 =	vmul.f32 v1, v15;
	v1 =	vadd.f32 $-5.000000000e-01, v7;
	v7 =	vmul.f32 v26, v3;
	v20 =	vld.idx.msk [tilespmem:v31+s6+$0x0], $0xffff  }
0x99: {  	v46 =	vadd.f32 $-5.000000000e-01, v46;
	v5 =	vmul.f32 v5, v3;
	v6 =	vmul.f32 v18, v13;
	v18 =	vld.idx.msk [tilespmem:v23+s6+$0x0], $0xffff  }
0x9a: {  	v31 =	vmul.f32 v44, v8;
	v11 =	vmul.f32 v1, v13;
	v23 =	vadd.s32 $0x193, v12;
	v13 =	vld.idx.msk [tilespmem:v45+s6+$0x0], $0xffff  }
0x9b: {  	v1 =	vmul.f32 v15, v15;
	v10 =	vadd.f32 $-5.000000000e-01, v6;
	v6 =	vsub.f32 v17, v30;
	v22 =	vld.idx.msk [tilespmem:v22+s6+$0x0], $0xffff  }
0x9c: {  	v17 =	vmul.f32 v31, v29;
	v8 =	vmul.f32 v41, v31;
	v26 =	vld.idx.msk [tilespmem:v28+s6+$0x0], $0xffff;
	v28 =	vadd.s32 $0x32B, v12  }
0x9d: {  	v11 =	vadd.f32 $5.000000000e-01, v11;
	v29 =	vmul.f32 v10, v33;
	v33 =	vmul.f32 v16, v31;
	v30 =	vld.idx.msk [tilespmem:v35+s6+$0x0], $0xffff  }
0x9e: {  	v41 =	vadd.s32 $0x32D, v12;
	v16 =	vmul.f32 v20, v10;
	v35 =	vmul.f32 v19, v31;
	v32 =	vld.idx.msk [tilespmem:v32+s6+$0x0], $0xffff  }
0x9f: {  	v19 =	vmul.f32 v42, v10;
	v12 =	vmul.f32 v18, v11;
	v37 =	vld.idx.msk [tilespmem:v37+s6+$0x0], $0xffff  }
0xa0: {  	v42 =	vmul.f32 v11, v27;
	v27 =	vmul.f32 v40, v11;
	v17 =	vadd.f32 v16, v17;
	v36 =	vld.idx.msk [tilespmem:v36+s6+$0x0], $0xffff  }
0xa1: {  	v21 =	vadd.f32 $-2.500000000e+00, v21;
	v18 =	vmul.f32 v31, v34;
	v13 =	vmul.f32 v13, v11;
	v34 =	vld.idx.msk [tilespmem:v23+s6+$0x0], $0xffff  }
0xa2: {  	v40 =	vmul.f32 v25, v31;
	v19 =	vadd.f32 v33, v19;
	v16 =	vmul.f32 v26, v3;
	v39 =	vld.idx.msk [tilespmem:v39+s6+$0x0], $0xffff  }
0xa3: {  	v20 =	vmul.f32 v43, v10;
	v13 =	vadd.f32 v13, v17;
	v30 =	vmul.f32 v30, v11;
	v33 =	vld.idx.msk [tilespmem:v38+s6+$0x0], $0xffff  }
0xa4: {  	v17 =	vmul.f32 v21, v1;
	v21 =	vmul.f32 v31, v24;
	v38 =	vadd.f32 v27, v19  }
0xa5: {  	v13 =	vadd.f32 v48, v13;
	v25 =	vmul.f32 v32, v10;
	v32 =	vmul.f32 v37, v3;
	v26 =	vld.idx.msk [tilespmem:v9+s6+$0x0], $0xffff  }
.Ltmp0:
0xa6: {  	v22 =	vmul.f32 v11, v22;
	v19 =	vadd.f32 $-5.000000000e-01, v49;
	v27 =	vmul.f32 v10, v47;
	v24 =	vld.idx.msk [tilespmem:v28+s6+$0x0], $0xffff;
	(pc) =	sbr.rel @p0 .LBB2_3-.Ltmp0, $4  }
0xa7: {  	v23 =	vadd.f32 v29, v21;
	v9 =	vmul.f32 v13, v17;
	v13 =	vadd.f32 v35, v25;
	v25 =	vld.idx.msk [tilespmem:v14+s6+$0x0], $0xffff  }
0xa8: {  	v29 =	vadd.f32 v27, v40;
	v28 =	vmul.f32 v34, v10;
	v27 =	vmul.f32 v39, v11  }
0xa9: {  	v21 =	vmul.f32 v36, v3;
	v14 =	vadd.f32 v30, v13;
	v31 =	vmul.f32 v33, v31  }
0xaa: {  	s18 =	sadd.s32 $0x10, s18;
	s20 =	smov.u32 s19;
	v30 =	vmul.f32 v46, v15;
	v29 =	vadd.f32 v29, v42;
	v13 =	vadd.f32 v32, v38;
	v15 =	vld.idx.msk [tilespmem:v41+s6+$0x0], $0xffff  }
0xab: {  	v2 =	vadd.f32 $-5.000000000e-01, v2;
	v28 =	vadd.f32 v31, v28  }
0xac: {  	v18 =	vadd.f32 v20, v18;
	v22 =	vadd.f32 v23, v22  }
0xad: {  	v14 =	vadd.f32 v21, v14;
	v53 =	vadd.f32 $5.000000000e-01, v30  }
0xae: {  	v10 =	vmul.f32 v26, v10;
	v7 =	vadd.f32 v29, v7;
	v12 =	vadd.f32 v12, v18  }
0xaf: {  	v55 =	vmul.f32 v25, v3;
	v54 =	vadd.f32 v27, v28;
	v5 =	vadd.f32 v22, v5  }
0xb0: {  	v11 =	vmul.f32 v24, v11;
	v8 =	vadd.f32 v8, v10;
	v56 =	vadd.f32 v16, v12  }
0xb1: {  	v7 =	vmul.f32 v7, v19;
	v57 =	vadd.f32 v55, v54;
	v5 =	vmul.f32 v5, v19  }
0xb2: {  	v8 =	vadd.f32 v11, v8;
	v3 =	vmul.f32 v15, v3;
	v10 =	vmul.f32 v56, v17  }
0xb3: {  	v1 =	vmul.f32 v2, v1;
	v59 =	vmul.f32 v14, v53;
	v5 =	vadd.f32 v9, v5  }
0xb4: {  	v60 =	vld [tilespmem:s17+$0x14F80];
	v58 =	vmul.f32 v57, v53;
	v3 =	vadd.f32 v3, v8;
	v2 =	vadd.f32 v10, v7  }
0xb5: {  	v61 =	vld [tilespmem:s17+$0x14F00];
	v62 =	vmul.f32 v13, v1  }
0xb6: {  	v5 =	vadd.f32 v59, v5;
	v1 =	vmul.f32 v3, v1;
	v2 =	vadd.f32 v58, v2;
	_ =	sdelay $0x1  }
0xb7: {  	v3 =	vadd.f32 v62, v5;
	v1 =	vadd.f32 v1, v2  }
0xb8: {  	v63 =	vmul.f32 v6, v6  }
0xb9: {  	s16 =	sadd.s32 $0x1, s16;
	v2 =	vmul.f32 v4, v4;
	v3 =	vsub.f32 v61, v3;
	v1 =	vsub.f32 v60, v1  }
0xba: {  	p0 =	sne.s32 s16, $0x8  }
.Ltmp1:
0xbb: {  	v2 =	vadd.f32 v63, v2;
	v3 =	vmul.f32 v3, v3;
	v1 =	vmul.f32 v1, v1;
	(pc) =	sbr.rel @p0 .LBB2_2-.Ltmp1, $3  }
0xbc: {  	_ = 	snop  }
0xbd: {  	v0 =	vadd.f32 v2, v0;
	v1 =	vadd.f32 v1, v3;
	_ =	sdelay $0x1  }
0xbe: {  	v0 =	vadd.f32 v1, v0  }
0xbf: {  	s15 =	sadd.s32 $0x1, s15  }
0xc0: {  	p0 =	sne.s32 s15, s9  }
.Ltmp2:
0xc1: {  	[tilespmem:$0x16F00] =	vst v0;
	(pc) =	sbr.rel @p0 .LBB2_1-.Ltmp2, $4  }
0xc2: {  	[hbm4b:s8+s6] =	stream.linear.scatter [tilespmem:s14], [sflag:$0x1], $0x10, $0x38;
	[tilespmem:$0x16F80] =	vst v63  }
0xc3: {  	_ =	swait.ge [sflag:s10], $0x10  }
0xc4: {  	[sflag:s10] =	ssyncset.done $0x0  }
0xc5: {  	[sflag:s10] =	ssyncadd.s32 $0xFFFFFFF0  }
0xc6: {  	_ =	sfence.sel $0x180000  }
0xc7: {  	[bflag:$0x0] =	sbarrier.arrive $0xFFFF  }
0xc8: {  	p0 =	sne.s32 s2, $0x0;
	_ =	strace $0x90000047  }
0xc9: {  	s0 =	sadd.s32 @!p0 $0x100000, s0;
	[bflag:$0x2] =	sbarrier.arrive $0xFFFF  }
0xca: {  	[sflag:s0] =	ssyncadd.tile.s32 @!p0 $0x1;
	_ =	shalt  }
.Lfunc_end2:
_tile_overlayer_lowered:
.L_overlay_start_2:
0xcb: {  	(tag) =	ssettag $0x2  }
0xcc: {  	s0 =	rddreg [dreg:$0x0];
	s2 =	stileid.u32  }
0xcd: {  	s1 =	rddreg [dreg:$0x1];
	p0 =	sne.s32 s2, $0x0  }
0xce: {  	s3 =	rddreg [dreg:$0x2];
	[bflag:$0x3] =	sbarrier.arrive $0xFFFF;
	s2 =	simm.s32 @!p0 $0x1C01  }
0xcf: {  	[timem:s3], [sflag:s2] =	dma.local @!p0 [hbm:s0], s1  }
0xd0: {  	s0 =	simm.s32 @!p0 $0x1  }
0xd1: {  	_ =	swait.ge @!p0 [sflag:s0], s1  }
0xd2: {  	s1 =	ssub.s32 @!p0 $0x0, s1;
	[sflag:s0] =	ssyncset.done @!p0 $0x0  }
0xd3: {  	[sflag:s0] =	ssyncadd.s32 @!p0 s1  }
0xd4: {  	[bflag:$0x3] =	sbarrier.arrive $0xFFFF  }
0xd5: {  	_ =	shalt  }

</sc_bundles>
